<compile_context>
chip_gen: v7x
topology: tpu7x:2x2x1
jax: 0.10.2.dev20260603
libtpu: 0.0.44.dev20260713+nightly
codegen_flags: <defaults>
</compile_context>

<pallas_src>
import functools

import jax
import jax.numpy as jnp
from jax import lax
from jax.experimental import pallas as pl
from jax.experimental.pallas import tpu as pltpu
from jax.experimental.pallas import tpu_sc as plsc

_EPS = 1e-3
_NW = 32
_CHUNK = 1500
_CPAD = 1504
_U = 32
_MROW = _CPAD * 16 // 128


def _main_body(xin4_ref, a_ref, b_ref, w4_ref, e_ref,
               x4_ref, same_ref, keys_ref, stats_ref):
    nr = xin4_ref.shape[1]
    c4 = xin4_ref.shape[2]
    xin4 = xin4_ref[...].reshape(nr, c4)
    x4_ref[...] = lax.dot_general(
        xin4, w4_ref[...], dimension_numbers=(((1,), (0,)), ((), ())),
        preferred_element_type=jnp.float32).reshape(1, nr, 128)

    m36 = lax.dot_general(
        xin4, xin4, dimension_numbers=(((0,), (0,)), ((), ())),
        preferred_element_type=jnp.float32)
    s36 = jnp.sum(xin4, axis=0, keepdims=True)
    stats_ref[...] = jnp.concatenate([m36, s36], axis=0).reshape(
        1, c4 + 1, c4)

    A = a_ref[...].reshape(_CPAD, 8)
    B = b_ref[...].reshape(_CPAD, 8)
    S = jnp.where((A == B) & (A >= 0), 1.0, 0.0)
    same_ref[...] = lax.dot_general(
        S, e_ref[...], dimension_numbers=(((1,), (0,)), ((), ())),
        preferred_element_type=jnp.float32).reshape(1, _CPAD, 128)

    rows = []
    for c in range(8):
        first = lax.slice(A, (188 * c, 0), (188 * c + 1, 1))
        last = lax.slice(A, (188 * c + 187, 3), (188 * c + 188, 4))
        rows.append(jnp.concatenate(
            [jnp.broadcast_to(first, (1, 16)),
             jnp.broadcast_to(last, (1, 16))], axis=1))
    keys_ref[...] = jnp.concatenate(rows, axis=0).reshape(1, 8, 32)


def _out_body(tin_ref, rep_ref, w_ref, ab_ref, o_ref):
    n = o_ref.shape[2]
    cin = tin_ref.shape[1]
    u = w_ref.shape[0]
    tin = tin_ref[...].reshape(cin, n)
    xt = lax.dot_general(
        w_ref[...], tin, dimension_numbers=(((1,), (0,)), ((), ())),
        preferred_element_type=jnp.float32)
    a = lax.slice(ab_ref[...], (0, 0), (u, 1))
    o = lax.slice(ab_ref[...], (0, 1), (u, 2))
    y = jnp.maximum(xt * a + o, 0.0)
    repT = jnp.transpose(rep_ref[...].reshape(n, u))
    o_ref[...] = jnp.concatenate([y, repT], axis=0).reshape(1, 2 * u, n)


def _splat(val, dtype=jnp.int32):
    return jnp.full((16,), val, dtype)


def _sc_seg(x_hbm, same_hbm, keys_hbm, ab_hbm, out_hbm,
            x_v, m_v, lm_v, keys_v, ab_v, pub_v, nb_v, vals_sp):
    w = lax.axis_index("c") * 16 + lax.axis_index("s")
    base = w * (_CHUNK * _U)
    pltpu.sync_copy(x_hbm.at[pl.ds(base, _CHUNK * _U)], x_v)
    mbase = w * (_MROW * 128)
    pltpu.sync_copy(same_hbm.at[pl.ds(mbase, _MROW * 128)], m_v)
    pltpu.sync_copy(keys_hbm.at[pl.ds(0, _NW * 32)], keys_v)
    pltpu.sync_copy(ab_hbm.at[pl.ds(0, 64)], ab_v)

    a0 = ab_v[pl.ds(0, 16)]
    a1 = ab_v[pl.ds(16, 16)]
    o0 = ab_v[pl.ds(32, 16)]
    o1 = ab_v[pl.ds(48, 16)]

    one = jnp.ones((16,), jnp.float32)

    y0 = jnp.maximum(x_v[pl.ds(0, 16)] * a0 + o0, 0.0)
    y1 = jnp.maximum(x_v[pl.ds(16, 16)] * a1 + o1, 0.0)
    x_v[pl.ds(0, 16)] = y0
    x_v[pl.ds(16, 16)] = y1
    lm_v[pl.ds(0, 16)] = one

    def fwd_one(p, carry):
        c0, c1, l0, l1, lm = carry
        m = m_v[pl.ds(p * 16, 16)]
        lm = lm * m
        lm_v[pl.ds(p * 16, 16)] = lm
        off = p * _U
        y0 = jnp.maximum(x_v[pl.ds(off, 16)] * a0 + o0, 0.0)
        y1 = jnp.maximum(x_v[pl.ds(off + 16, 16)] * a1 + o1, 0.0)
        c0 = jnp.maximum(y0, c0 * m)
        c1 = jnp.maximum(y1, c1 * m)
        l0 = jnp.maximum(l0, y0 * lm)
        l1 = jnp.maximum(l1, y1 * lm)
        x_v[pl.ds(off, 16)] = c0
        x_v[pl.ds(off + 16, 16)] = c1
        return c0, c1, l0, l1, lm

    def fwd2(i, carry):
        p = 1 + 2 * i
        return fwd_one(p + 1, fwd_one(p, carry))
    st = lax.fori_loop(0, (_CHUNK - 2) // 2, fwd2, (y0, y1, y0, y1, one))
    c0, c1, l0, l1, _ = fwd_one(_CHUNK - 1, st)

    pub_v[pl.ds(0, 16)] = l0
    pub_v[pl.ds(16, 16)] = l1
    pub_v[pl.ds(32, 16)] = c0
    pub_v[pl.ds(48, 16)] = c1
    pltpu.sync_copy(pub_v, vals_sp.at[pl.ds(w * 64, 64)])
    plsc.subcore_barrier()

    b = w // 8
    wl = w - 8 * b
    pltpu.sync_copy(vals_sp.at[pl.ds(b * 512, 512)], nb_v)

    myoff = wl * 64
    leadG0 = nb_v[pl.ds(myoff, 16)]
    leadG1 = nb_v[pl.ds(myoff + 16, 16)]
    tailG0 = nb_v[pl.ds(myoff + 32, 16)]
    tailG1 = nb_v[pl.ds(myoff + 48, 16)]
    myfirst = keys_v[pl.ds(w * 32, 16)]
    mylast = keys_v[pl.ds(w * 32 + 16, 16)]

    one = jnp.ones((16,), jnp.float32)

    chain = one
    for j in range(1, 8):
        q = wl - j
        validv = jnp.where(_splat(q) >= 0, 1.0, 0.0)
        qc = jnp.maximum(q, 0)
        qg = 8 * b + qc
        qfirst = keys_v[pl.ds(qg * 32, 16)]
        qlast = keys_v[pl.ds(qg * 32 + 16, 16)]
        match = jnp.where(qlast == myfirst, 1.0, 0.0)
        step = chain * match * validv
        leadG0 = jnp.maximum(leadG0, nb_v[pl.ds(qc * 64 + 32, 16)] * step)
        leadG1 = jnp.maximum(leadG1, nb_v[pl.ds(qc * 64 + 48, 16)] * step)
        chain = step * jnp.where(qfirst == qlast, 1.0, 0.0)

    chain = one
    for j in range(1, 8):
        q = wl + j
        validv = jnp.where(_splat(q) <= 7, 1.0, 0.0)
        qc = jnp.minimum(q, 7)
        qg = 8 * b + qc
        qfirst = keys_v[pl.ds(qg * 32, 16)]
        qlast = keys_v[pl.ds(qg * 32 + 16, 16)]
        match = jnp.where(qfirst == mylast, 1.0, 0.0)
        step = chain * match * validv
        tailG0 = jnp.maximum(tailG0, nb_v[pl.ds(qc * 64, 16)] * step)
        tailG1 = jnp.maximum(tailG1, nb_v[pl.ds(qc * 64 + 16, 16)] * step)
        chain = step * jnp.where(qfirst == qlast, 1.0, 0.0)

    lastoff = (_CHUNK - 1) * _U
    lml = lm_v[pl.ds((_CHUNK - 1) * 16, 16)]
    t0 = jnp.maximum(tailG0, leadG0 * lml)
    t1 = jnp.maximum(tailG1, leadG1 * lml)
    x_v[pl.ds(lastoff, 16)] = t0
    x_v[pl.ds(lastoff + 16, 16)] = t1

    def bwd_one(p, carry):
        t0, t1 = carry
        m = m_v[pl.ds((p + 1) * 16, 16)]
        lm = lm_v[pl.ds(p * 16, 16)]
        off = p * _U
        t0 = jnp.maximum(
            jnp.maximum(x_v[pl.ds(off, 16)], t0 * m), leadG0 * lm)
        t1 = jnp.maximum(
            jnp.maximum(x_v[pl.ds(off + 16, 16)], t1 * m), leadG1 * lm)
        x_v[pl.ds(off, 16)] = t0
        x_v[pl.ds(off + 16, 16)] = t1
        return t0, t1

    def bwd2(q, carry):
        p = (_CHUNK - 2) - 2 * q
        return bwd_one(p - 1, bwd_one(p, carry))
    st2 = lax.fori_loop(0, (_CHUNK - 2) // 2, bwd2, (t0, t1))
    bwd_one(0, st2)

    pltpu.sync_copy(x_v, out_hbm.at[pl.ds(base, _CHUNK * _U)])


def kernel(inputs, indices, W, gamma, beta):
    bs, n, cin = inputs.shape
    u = W.shape[0]
    npts = bs * n
    cpb = n // _CHUNK
    nr = n * cin // 36
    c4 = 4 * cin

    xin4 = inputs.reshape(bs, nr, c4)
    tin = jnp.transpose(inputs, (0, 2, 1))
    Wt = jnp.transpose(W)
    wrows = [jnp.concatenate(
        [jnp.zeros((cin, u * k), jnp.float32), Wt,
         jnp.zeros((cin, u * (3 - k)), jnp.float32)], axis=1)
        for k in range(4)]
    W4 = jnp.concatenate(wrows, axis=0)

    idx32 = indices.astype(jnp.int32)
    idxc = jnp.pad(idx32.reshape(_NW, _CHUNK),
                   ((0, 0), (0, _CPAD - _CHUNK)), constant_values=-1)
    flat = idxc.reshape(_NW * _CPAD)
    prev = jnp.concatenate([jnp.full((1,), -1, jnp.int32), flat[:-1]])
    A3 = flat.reshape(bs, _CPAD, 8)
    B3 = prev.reshape(bs, _CPAD, 8)
    E = (jnp.arange(128)[None, :] // 16
         == jnp.arange(8)[:, None]).astype(jnp.float32)

    x4, same_f, keys, stats = pl.pallas_call(
        _main_body,
        grid=(bs,),
        in_specs=[
            pl.BlockSpec((1, nr, c4), lambda b: (b, 0, 0)),
            pl.BlockSpec((1, _CPAD, 8), lambda b: (b, 0, 0)),
            pl.BlockSpec((1, _CPAD, 8), lambda b: (b, 0, 0)),
            pl.BlockSpec((c4, 128), lambda b: (0, 0)),
            pl.BlockSpec((8, 128), lambda b: (0, 0)),
        ],
        out_specs=[
            pl.BlockSpec((1, nr, 128), lambda b: (b, 0, 0)),
            pl.BlockSpec((1, _CPAD, 128), lambda b: (b, 0, 0)),
            pl.BlockSpec((1, cpb, 32), lambda b: (b, 0, 0)),
            pl.BlockSpec((1, c4 + 1, c4), lambda b: (b, 0, 0)),
        ],
        out_shape=(
            jax.ShapeDtypeStruct((bs, nr, 128), jnp.float32),
            jax.ShapeDtypeStruct((bs, _CPAD, 128), jnp.float32),
            jax.ShapeDtypeStruct((bs, cpb, 32), jnp.int32),
            jax.ShapeDtypeStruct((bs, c4 + 1, c4), jnp.float32),
        ),
        compiler_params=pltpu.CompilerParams(
            vmem_limit_bytes=100 * 1024 * 1024),
    )(xin4, A3, B3, W4, E)

    m36 = jnp.sum(stats[:, :c4, :], axis=0)
    s36 = jnp.sum(stats[:, c4, :], axis=0)
    m9 = sum(m36[9 * k:9 * k + 9, 9 * k:9 * k + 9] for k in range(4))
    s9 = sum(s36[9 * k:9 * k + 9] for k in range(4))
    mu9 = s9 / npts
    mean = W @ mu9
    e2 = jnp.sum((W @ (m9 / npts)) * W, axis=1)
    var = e2 - mean * mean
    a32 = gamma * lax.rsqrt(var + _EPS)
    o32 = beta - mean * a32
    ab = jnp.concatenate([a32, o32]).astype(jnp.float32)

    mesh = plsc.VectorSubcoreMesh(core_axis_name="c", subcore_axis_name="s")
    sc = functools.partial(
        pl.kernel, mesh=mesh,
        out_type=jax.ShapeDtypeStruct((npts * u,), jnp.float32),
        scratch_types=[
            pltpu.VMEM((_CHUNK * _U,), jnp.float32),
            pltpu.VMEM((_MROW * 128,), jnp.float32),
            pltpu.VMEM((_CHUNK * 16,), jnp.float32),
            pltpu.VMEM((_NW * 32,), jnp.int32),
            pltpu.VMEM((64,), jnp.float32),
            pltpu.VMEM((64,), jnp.float32),
            pltpu.VMEM((512,), jnp.float32),
            pltpu.VMEM_SHARED((_NW * 64,), jnp.float32),
        ],
    )(_sc_seg)

    rep = sc(x4.reshape(npts * u), same_f.reshape(bs * _CPAD * 128),
             keys.reshape(_NW * 32), ab)

    out_t = pl.pallas_call(
        _out_body,
        grid=(bs,),
        in_specs=[
            pl.BlockSpec((1, cin, n), lambda b: (b, 0, 0)),
            pl.BlockSpec((1, n, u), lambda b: (b, 0, 0)),
            pl.BlockSpec((u, cin), lambda b: (0, 0)),
            pl.BlockSpec((u, 2), lambda b: (0, 0)),
        ],
        out_specs=pl.BlockSpec((1, 2 * u, n), lambda b: (b, 0, 0)),
        out_shape=jax.ShapeDtypeStruct((bs, 2 * u, n), jnp.float32),
        compiler_params=pltpu.CompilerParams(
            vmem_limit_bytes=100 * 1024 * 1024),
    )(tin, rep.reshape(bs, n, u), W,
      jnp.stack([a32, o32], axis=1).astype(jnp.float32))

    return jnp.transpose(out_t, (0, 2, 1))

# --- scband reference (transcript-rebuilt; emitter-appended) ---
"""Pipeline reference for scband-pfnlayer-89197880803689 (READ-ONLY COPY).

The authoritative reference and input builder live on the scoring server;
editing this copy changes nothing except your own understanding.
"""

import jax, jax.numpy as jnp
import numpy as np

H, W_GRID, Z = 480, 480, 2
UNITS = 32  # out_channels // 2 since last_layer=False
EPS = 1e-3


def setup_inputs(seed: int = 0) -> dict:
    key = jax.random.key(seed)
    k1, k2, k3, k4 = jax.random.split(key, 4)
    bs, n, cin = 4, 12000, 9
    inputs = jax.random.normal(k1, (bs, n, cin), dtype=jnp.float32)
    indices = jnp.sort(jax.random.randint(k2, (bs, n), 0, H * W_GRID * Z, dtype=jnp.int64), axis=-1)
    # Linear(9 -> 32, bias=False) weight, torch layout [out, in]
    W = jax.random.normal(k3, (UNITS, cin), dtype=jnp.float32) * (1.0 / np.sqrt(cin))
    gamma = jnp.ones((UNITS,), dtype=jnp.float32)
    beta = jnp.zeros((UNITS,), dtype=jnp.float32)
    return {"inputs": inputs, "indices": indices, "W": W, "gamma": gamma, "beta": beta}


def reference(inputs, indices, W, gamma, beta):
    # linear (no bias)
    x = jnp.einsum('bnc,uc->bnu', inputs, W)
    # BatchNorm1d in training mode over (batch, points) per channel
    mean = jnp.mean(x, axis=(0, 1))
    var = jnp.var(x, axis=(0, 1))
    x = (x - mean) / jnp.sqrt(var + EPS) * gamma + beta
    x = jax.nn.relu(x)
    bs, n, c = x.shape
    V = H * W_GRID * Z
    # scatter-max into zero-initialized voxel grid (matches torch scatter(out=zeros, reduce='max'))
    x_max = jnp.zeros((bs, V, c), dtype=x.dtype)
    b_idx = jnp.arange(bs)[:, None]
    x_max = x_max.at[b_idx, indices].max(x)
    # gather voxel features back to each point (torch.gather along dim=1)
    x_repeat = x_max[b_idx, indices]  # [bs, n, c]
    x_concatenated = jnp.concatenate([x, x_repeat], axis=2)
    return x_concatenated

if __name__ == "__main__":
    import jax
    _d = setup_inputs()
    print(jax.jit(kernel)(*tuple(_d.values())))

</pallas_src>

<mosaic_0001>
#map = affine_map<(d0, d1) -> (0)>
module attributes {stable_mosaic.version = 14 : i64} {
  func.func @_sc_seg(%arg0: i32, %arg1: i32, %arg2: memref<1536000xf32, #tpu.memory_space<hbm>>, %arg3: memref<770048xf32, #tpu.memory_space<hbm>>, %arg4: memref<1024xi32, #tpu.memory_space<hbm>>, %arg5: memref<64xf32, #tpu.memory_space<hbm>>, %arg6: memref<1536000xf32, #tpu.memory_space<hbm>>, %arg7: memref<48000xf32, #tpu.memory_space<vmem>>, %arg8: memref<24064xf32, #tpu.memory_space<vmem>>, %arg9: memref<24000xf32, #tpu.memory_space<vmem>>, %arg10: memref<1024xi32, #tpu.memory_space<vmem>>, %arg11: memref<64xf32, #tpu.memory_space<vmem>>, %arg12: memref<64xf32, #tpu.memory_space<vmem>>, %arg13: memref<512xf32, #tpu.memory_space<vmem>>, %arg14: memref<2048xf32, #tpu.memory_space<vmem_shared>>) attributes {dimension_semantics = [#tpu.dimension_semantics<core_parallel>, #tpu.dimension_semantics<subcore_parallel>], iteration_bounds = array<i64: 2, 16>, scalar_prefetch = 0 : i64, scratch_operands = 8 : i64, tpu.core_type = #tpu.core_type<sc_vector_subcore>, window_params = [{transform_indices = #map}, {transform_indices = #map}, {transform_indices = #map}, {transform_indices = #map}, {transform_indices = #map}]} {
    %mul3A = arith.constant 16 : i32
    %mul3A_0 = arith.muli %arg0, %mul3A : i32
    %add3A = arith.addi %mul3A_0, %arg1 : i32
    %mul3A_1 = arith.constant 48000 : i32
    %mul3A_2 = arith.muli %add3A, %mul3A_1 : i32
    "tpu.region"() ({
      %run_scoped3A = tpu.sem_alloc : memref<!tpu.dma_semaphore, #tpu.memory_space<semaphore_mem>>
      %dma_start3A = tpu.memref_slice %arg2[%mul3A_2] : memref<1536000xf32, #tpu.memory_space<hbm>> -> memref<48000xf32, #tpu.memory_space<hbm>>
      %dma_start3A_1046 = tpu.memref_slice %arg2[%mul3A_2] : memref<1536000xf32, #tpu.memory_space<hbm>> -> memref<48000xf32, #tpu.memory_space<hbm>>
      tpu.enqueue_dma source(%dma_start3A_1046 : memref<48000xf32, #tpu.memory_space<hbm>>) target(%arg7 : memref<48000xf32, #tpu.memory_space<vmem>>) target_semaphore(%run_scoped3A : memref<!tpu.dma_semaphore, #tpu.memory_space<semaphore_mem>>)
      %dma_wait3A = tpu.memref_slice %arg2[%mul3A_2] : memref<1536000xf32, #tpu.memory_space<hbm>> -> memref<48000xf32, #tpu.memory_space<hbm>>
      %dma_wait3A_1047 = tpu.memref_slice %arg2[%mul3A_2] : memref<1536000xf32, #tpu.memory_space<hbm>> -> memref<48000xf32, #tpu.memory_space<hbm>>
      tpu.wait_dma2 semaphore(%run_scoped3A : memref<!tpu.dma_semaphore, #tpu.memory_space<semaphore_mem>>) src(%dma_wait3A_1047 : memref<48000xf32, #tpu.memory_space<hbm>>) dst(%arg7 : memref<48000xf32, #tpu.memory_space<vmem>>)
      tpu.yield
    }) : () -> ()
    %mul3A_3 = arith.constant 24064 : i32
    %mul3A_4 = arith.muli %add3A, %mul3A_3 : i32
    "tpu.region"() ({
      %run_scoped3A = tpu.sem_alloc : memref<!tpu.dma_semaphore, #tpu.memory_space<semaphore_mem>>
      %dma_start3A = tpu.memref_slice %arg3[%mul3A_4] : memref<770048xf32, #tpu.memory_space<hbm>> -> memref<24064xf32, #tpu.memory_space<hbm>>
      %dma_start3A_1046 = tpu.memref_slice %arg3[%mul3A_4] : memref<770048xf32, #tpu.memory_space<hbm>> -> memref<24064xf32, #tpu.memory_space<hbm>>
      tpu.enqueue_dma source(%dma_start3A_1046 : memref<24064xf32, #tpu.memory_space<hbm>>) target(%arg8 : memref<24064xf32, #tpu.memory_space<vmem>>) target_semaphore(%run_scoped3A : memref<!tpu.dma_semaphore, #tpu.memory_space<semaphore_mem>>)
      %dma_wait3A = tpu.memref_slice %arg3[%mul3A_4] : memref<770048xf32, #tpu.memory_space<hbm>> -> memref<24064xf32, #tpu.memory_space<hbm>>
      %dma_wait3A_1047 = tpu.memref_slice %arg3[%mul3A_4] : memref<770048xf32, #tpu.memory_space<hbm>> -> memref<24064xf32, #tpu.memory_space<hbm>>
      tpu.wait_dma2 semaphore(%run_scoped3A : memref<!tpu.dma_semaphore, #tpu.memory_space<semaphore_mem>>) src(%dma_wait3A_1047 : memref<24064xf32, #tpu.memory_space<hbm>>) dst(%arg8 : memref<24064xf32, #tpu.memory_space<vmem>>)
      tpu.yield
    }) : () -> ()
    "tpu.region"() ({
      %run_scoped3A = tpu.sem_alloc : memref<!tpu.dma_semaphore, #tpu.memory_space<semaphore_mem>>
      %dma_start3A = arith.constant 0 : i32
      %dma_start3A_1046 = tpu.memref_slice %arg4[%dma_start3A] : memref<1024xi32, #tpu.memory_space<hbm>> -> memref<1024xi32, #tpu.memory_space<hbm>>
      %dma_start3A_1047 = arith.constant 0 : i32
      %dma_start3A_1048 = tpu.memref_slice %arg4[%dma_start3A_1047] : memref<1024xi32, #tpu.memory_space<hbm>> -> memref<1024xi32, #tpu.memory_space<hbm>>
      tpu.enqueue_dma source(%dma_start3A_1048 : memref<1024xi32, #tpu.memory_space<hbm>>) target(%arg10 : memref<1024xi32, #tpu.memory_space<vmem>>) target_semaphore(%run_scoped3A : memref<!tpu.dma_semaphore, #tpu.memory_space<semaphore_mem>>)
      %dma_wait3A = arith.constant 0 : i32
      %dma_wait3A_1049 = tpu.memref_slice %arg4[%dma_wait3A] : memref<1024xi32, #tpu.memory_space<hbm>> -> memref<1024xi32, #tpu.memory_space<hbm>>
      %dma_wait3A_1050 = arith.constant 0 : i32
      %dma_wait3A_1051 = tpu.memref_slice %arg4[%dma_wait3A_1050] : memref<1024xi32, #tpu.memory_space<hbm>> -> memref<1024xi32, #tpu.memory_space<hbm>>
      tpu.wait_dma2 semaphore(%run_scoped3A : memref<!tpu.dma_semaphore, #tpu.memory_space<semaphore_mem>>) src(%dma_wait3A_1051 : memref<1024xi32, #tpu.memory_space<hbm>>) dst(%arg10 : memref<1024xi32, #tpu.memory_space<vmem>>)
      tpu.yield
    }) : () -> ()
    "tpu.region"() ({
      %run_scoped3A = tpu.sem_alloc : memref<!tpu.dma_semaphore, #tpu.memory_space<semaphore_mem>>
      %dma_start3A = arith.constant 0 : i32
      %dma_start3A_1046 = tpu.memref_slice %arg5[%dma_start3A] : memref<64xf32, #tpu.memory_space<hbm>> -> memref<64xf32, #tpu.memory_space<hbm>>
      %dma_start3A_1047 = arith.constant 0 : i32
      %dma_start3A_1048 = tpu.memref_slice %arg5[%dma_start3A_1047] : memref<64xf32, #tpu.memory_space<hbm>> -> memref<64xf32, #tpu.memory_space<hbm>>
      tpu.enqueue_dma source(%dma_start3A_1048 : memref<64xf32, #tpu.memory_space<hbm>>) target(%arg11 : memref<64xf32, #tpu.memory_space<vmem>>) target_semaphore(%run_scoped3A : memref<!tpu.dma_semaphore, #tpu.memory_space<semaphore_mem>>)
      %dma_wait3A = arith.constant 0 : i32
      %dma_wait3A_1049 = tpu.memref_slice %arg5[%dma_wait3A] : memref<64xf32, #tpu.memory_space<hbm>> -> memref<64xf32, #tpu.memory_space<hbm>>
      %dma_wait3A_1050 = arith.constant 0 : i32
      %dma_wait3A_1051 = tpu.memref_slice %arg5[%dma_wait3A_1050] : memref<64xf32, #tpu.memory_space<hbm>> -> memref<64xf32, #tpu.memory_space<hbm>>
      tpu.wait_dma2 semaphore(%run_scoped3A : memref<!tpu.dma_semaphore, #tpu.memory_space<semaphore_mem>>) src(%dma_wait3A_1051 : memref<64xf32, #tpu.memory_space<hbm>>) dst(%arg11 : memref<64xf32, #tpu.memory_space<vmem>>)
      tpu.yield
    }) : () -> ()
    %get3A = arith.constant 0 : index
    %get3A_5 = tpu.vector_load %arg11[%get3A] {strides = array<i32>} : memref<64xf32, #tpu.memory_space<vmem>>, vector<16xf32>,
    %get3A_6 = vector.shape_cast %get3A_5 : vector<16xf32> to vector<16xf32>
    %get3A_7 = arith.constant 16 : index
    %get3A_8 = tpu.vector_load %arg11[%get3A_7] {strides = array<i32>} : memref<64xf32, #tpu.memory_space<vmem>>, vector<16xf32>,
    %get3A_9 = vector.shape_cast %get3A_8 : vector<16xf32> to vector<16xf32>
    %get3A_10 = arith.constant 32 : index
    %get3A_11 = tpu.vector_load %arg11[%get3A_10] {strides = array<i32>} : memref<64xf32, #tpu.memory_space<vmem>>, vector<16xf32>,
    %get3A_12 = vector.shape_cast %get3A_11 : vector<16xf32> to vector<16xf32>
    %get3A_13 = arith.constant 48 : index
    %get3A_14 = tpu.vector_load %arg11[%get3A_13] {strides = array<i32>} : memref<64xf32, #tpu.memory_space<vmem>>, vector<16xf32>,
    %get3A_15 = vector.shape_cast %get3A_14 : vector<16xf32> to vector<16xf32>
    %broadcast_in_dim3A = arith.constant 1.000000e+00 : f32
    %broadcast_in_dim3A_16 = vector.broadcast %broadcast_in_dim3A : f32 to vector<16xf32>
    %get3A_17 = arith.constant 0 : index
    %get3A_18 = tpu.vector_load %arg7[%get3A_17] {strides = array<i32>} : memref<48000xf32, #tpu.memory_space<vmem>>, vector<16xf32>,
    %get3A_19 = vector.shape_cast %get3A_18 : vector<16xf32> to vector<16xf32>
    %mul3A_20 = arith.mulf %get3A_19, %get3A_6 : vector<16xf32>
    %add3A_21 = arith.addf %mul3A_20, %get3A_12 : vector<16xf32>
    %max3A = arith.constant 0.000000e+00 : f32
    %max3A_22 = vector.broadcast %max3A : f32 to vector<16xf32>
    %max3A_23 = arith.maximumf %add3A_21, %max3A_22 : vector<16xf32>
    %get3A_24 = arith.constant 16 : index
    %get3A_25 = tpu.vector_load %arg7[%get3A_24] {strides = array<i32>} : memref<48000xf32, #tpu.memory_space<vmem>>, vector<16xf32>,
    %get3A_26 = vector.shape_cast %get3A_25 : vector<16xf32> to vector<16xf32>
    %mul3A_27 = arith.mulf %get3A_26, %get3A_9 : vector<16xf32>
    %add3A_28 = arith.addf %mul3A_27, %get3A_15 : vector<16xf32>
    %max3A_29 = arith.constant 0.000000e+00 : f32
    %max3A_30 = vector.broadcast %max3A_29 : f32 to vector<16xf32>
    %max3A_31 = arith.maximumf %add3A_28, %max3A_30 : vector<16xf32>
    %swap3A = arith.constant 0 : index
    %swap3A_32 = tpu.vector_load %arg7[%swap3A] {strides = array<i32>} : memref<48000xf32, #tpu.memory_space<vmem>>, vector<16xf32>,
    %swap3A_33 = vector.shape_cast %swap3A_32 : vector<16xf32> to vector<16xf32>
    %swap3A_34 = vector.shape_cast %max3A_23 : vector<16xf32> to vector<16xf32>
    tpu.vector_store %arg7[%swap3A], %swap3A_34 {strides = array<i32>} : memref<48000xf32, #tpu.memory_space<vmem>>, vector<16xf32>,
    %swap3A_35 = arith.constant 16 : index
    %swap3A_36 = tpu.vector_load %arg7[%swap3A_35] {strides = array<i32>} : memref<48000xf32, #tpu.memory_space<vmem>>, vector<16xf32>,
    %swap3A_37 = vector.shape_cast %swap3A_36 : vector<16xf32> to vector<16xf32>
    %swap3A_38 = vector.shape_cast %max3A_31 : vector<16xf32> to vector<16xf32>
    tpu.vector_store %arg7[%swap3A_35], %swap3A_38 {strides = array<i32>} : memref<48000xf32, #tpu.memory_space<vmem>>, vector<16xf32>,
    %swap3A_39 = arith.constant 0 : index
    %swap3A_40 = tpu.vector_load %arg9[%swap3A_39] {strides = array<i32>} : memref<24000xf32, #tpu.memory_space<vmem>>, vector<16xf32>,
    %swap3A_41 = vector.shape_cast %swap3A_40 : vector<16xf32> to vector<16xf32>
    %swap3A_42 = vector.shape_cast %broadcast_in_dim3A_16 : vector<16xf32> to vector<16xf32>
    tpu.vector_store %arg9[%swap3A_39], %swap3A_42 {strides = array<i32>} : memref<24000xf32, #tpu.memory_space<vmem>>, vector<16xf32>,
    %scan3A = arith.constant 0 : i32
    %scan3A_43 = arith.constant 749 : i32
    %scan3A_44 = arith.addi %scan3A, %scan3A_43 : i32
    %scan3A_45 = arith.constant 1 : i32
    %scan3A_46:5 = scf.for %scan3A_1046 = %scan3A to %scan3A_44 step %scan3A_45 iter_args(%scan3A_1047 = %max3A_23, %scan3A_1048 = %max3A_31, %scan3A_1049 = %max3A_23, %scan3A_1050 = %max3A_31, %scan3A_1051 = %broadcast_in_dim3A_16) -> (vector<16xf32>, vector<16xf32>, vector<16xf32>, vector<16xf32>, vector<16xf32>)  : i32 {
      %mul3A_1052 = arith.constant 2 : i32
      %mul3A_1053 = arith.muli %mul3A_1052, %scan3A_1046 : i32
      %add3A_1054 = arith.constant 1 : i32
      %add3A_1055 = arith.addi %add3A_1054, %mul3A_1053 : i32
      %add3A_1056 = arith.constant 1 : i32
      %add3A_1057 = arith.addi %add3A_1055, %add3A_1056 : i32
      %mul3A_1058 = arith.constant 16 : i32
      %mul3A_1059 = arith.muli %add3A_1055, %mul3A_1058 : i32
      %get3A_1060 = arith.index_cast %mul3A_1059 : i32 to index
      %get3A_1061 = tpu.vector_load %arg8[%get3A_1060] {strides = array<i32>} : memref<24064xf32, #tpu.memory_space<vmem>>, vector<16xf32>,
      %get3A_1062 = vector.shape_cast %get3A_1061 : vector<16xf32> to vector<16xf32>
      %mul3A_1063 = arith.mulf %scan3A_1051, %get3A_1062 : vector<16xf32>
      %mul3A_1064 = arith.constant 16 : i32
      %mul3A_1065 = arith.muli %add3A_1055, %mul3A_1064 : i32
      %swap3A_1066 = arith.index_cast %mul3A_1065 : i32 to index
      %swap3A_1067 = tpu.vector_load %arg9[%swap3A_1066] {strides = array<i32>} : memref<24000xf32, #tpu.memory_space<vmem>>, vector<16xf32>,
      %swap3A_1068 = vector.shape_cast %swap3A_1067 : vector<16xf32> to vector<16xf32>
      %swap3A_1069 = vector.shape_cast %mul3A_1063 : vector<16xf32> to vector<16xf32>
      tpu.vector_store %arg9[%swap3A_1066], %swap3A_1069 {strides = array<i32>} : memref<24000xf32, #tpu.memory_space<vmem>>, vector<16xf32>,
      %mul3A_1070 = arith.constant 32 : i32
      %mul3A_1071 = arith.muli %add3A_1055, %mul3A_1070 : i32
      %get3A_1072 = arith.index_cast %mul3A_1071 : i32 to index
      %get3A_1073 = tpu.vector_load %arg7[%get3A_1072] {strides = array<i32>} : memref<48000xf32, #tpu.memory_space<vmem>>, vector<16xf32>,
      %get3A_1074 = vector.shape_cast %get3A_1073 : vector<16xf32> to vector<16xf32>
      %mul3A_1075 = arith.mulf %get3A_1074, %get3A_6 : vector<16xf32>
      %add3A_1076 = arith.addf %mul3A_1075, %get3A_12 : vector<16xf32>
      %max3A_1077 = arith.constant 0.000000e+00 : f32
      %max3A_1078 = vector.broadcast %max3A_1077 : f32 to vector<16xf32>
      %max3A_1079 = arith.maximumf %add3A_1076, %max3A_1078 : vector<16xf32>
      %add3A_1080 = arith.constant 16 : i32
      %add3A_1081 = arith.addi %mul3A_1071, %add3A_1080 : i32
      %get3A_1082 = arith.index_cast %add3A_1081 : i32 to index
      %get3A_1083 = tpu.vector_load %arg7[%get3A_1082] {strides = array<i32>} : memref<48000xf32, #tpu.memory_space<vmem>>, vector<16xf32>,
      %get3A_1084 = vector.shape_cast %get3A_1083 : vector<16xf32> to vector<16xf32>
      %mul3A_1085 = arith.mulf %get3A_1084, %get3A_9 : vector<16xf32>
      %add3A_1086 = arith.addf %mul3A_1085, %get3A_15 : vector<16xf32>
      %max3A_1087 = arith.constant 0.000000e+00 : f32
      %max3A_1088 = vector.broadcast %max3A_1087 : f32 to vector<16xf32>
      %max3A_1089 = arith.maximumf %add3A_1086, %max3A_1088 : vector<16xf32>
      %mul3A_1090 = arith.mulf %scan3A_1047, %get3A_1062 : vector<16xf32>
      %max3A_1091 = arith.maximumf %max3A_1079, %mul3A_1090 : vector<16xf32>
      %mul3A_1092 = arith.mulf %scan3A_1048, %get3A_1062 : vector<16xf32>
      %max3A_1093 = arith.maximumf %max3A_1089, %mul3A_1092 : vector<16xf32>
      %mul3A_1094 = arith.mulf %max3A_1079, %mul3A_1063 : vector<16xf32>
      %max3A_1095 = arith.maximumf %scan3A_1049, %mul3A_1094 : vector<16xf32>
      %mul3A_1096 = arith.mulf %max3A_1089, %mul3A_1063 : vector<16xf32>
      %max3A_1097 = arith.maximumf %scan3A_1050, %mul3A_1096 : vector<16xf32>
      %swap3A_1098 = arith.index_cast %mul3A_1071 : i32 to index
      %swap3A_1099 = tpu.vector_load %arg7[%swap3A_1098] {strides = array<i32>} : memref<48000xf32, #tpu.memory_space<vmem>>, vector<16xf32>,
      %swap3A_1100 = vector.shape_cast %swap3A_1099 : vector<16xf32> to vector<16xf32>
      %swap3A_1101 = vector.shape_cast %max3A_1091 : vector<16xf32> to vector<16xf32>
      tpu.vector_store %arg7[%swap3A_1098], %swap3A_1101 {strides = array<i32>} : memref<48000xf32, #tpu.memory_space<vmem>>, vector<16xf32>,
      %add3A_1102 = arith.constant 16 : i32
      %add3A_1103 = arith.addi %mul3A_1071, %add3A_1102 : i32
      %swap3A_1104 = arith.index_cast %add3A_1103 : i32 to index
      %swap3A_1105 = tpu.vector_load %arg7[%swap3A_1104] {strides = array<i32>} : memref<48000xf32, #tpu.memory_space<vmem>>, vector<16xf32>,
      %swap3A_1106 = vector.shape_cast %swap3A_1105 : vector<16xf32> to vector<16xf32>
      %swap3A_1107 = vector.shape_cast %max3A_1093 : vector<16xf32> to vector<16xf32>
      tpu.vector_store %arg7[%swap3A_1104], %swap3A_1107 {strides = array<i32>} : memref<48000xf32, #tpu.memory_space<vmem>>, vector<16xf32>,
      %mul3A_1108 = arith.constant 16 : i32
      %mul3A_1109 = arith.muli %add3A_1057, %mul3A_1108 : i32
      %get3A_1110 = arith.index_cast %mul3A_1109 : i32 to index
      %get3A_1111 = tpu.vector_load %arg8[%get3A_1110] {strides = array<i32>} : memref<24064xf32, #tpu.memory_space<vmem>>, vector<16xf32>,
      %get3A_1112 = vector.shape_cast %get3A_1111 : vector<16xf32> to vector<16xf32>
      %mul3A_1113 = arith.mulf %mul3A_1063, %get3A_1112 : vector<16xf32>
      %mul3A_1114 = arith.constant 16 : i32
      %mul3A_1115 = arith.muli %add3A_1057, %mul3A_1114 : i32
      %swap3A_1116 = arith.index_cast %mul3A_1115 : i32 to index
      %swap3A_1117 = tpu.vector_load %arg9[%swap3A_1116] {strides = array<i32>} : memref<24000xf32, #tpu.memory_space<vmem>>, vector<16xf32>,
      %swap3A_1118 = vector.shape_cast %swap3A_1117 : vector<16xf32> to vector<16xf32>
      %swap3A_1119 = vector.shape_cast %mul3A_1113 : vector<16xf32> to vector<16xf32>
      tpu.vector_store %arg9[%swap3A_1116], %swap3A_1119 {strides = array<i32>} : memref<24000xf32, #tpu.memory_space<vmem>>, vector<16xf32>,
      %mul3A_1120 = arith.constant 32 : i32
      %mul3A_1121 = arith.muli %add3A_1057, %mul3A_1120 : i32
      %get3A_1122 = arith.index_cast %mul3A_1121 : i32 to index
      %get3A_1123 = tpu.vector_load %arg7[%get3A_1122] {strides = array<i32>} : memref<48000xf32, #tpu.memory_space<vmem>>, vector<16xf32>,
      %get3A_1124 = vector.shape_cast %get3A_1123 : vector<16xf32> to vector<16xf32>
      %mul3A_1125 = arith.mulf %get3A_1124, %get3A_6 : vector<16xf32>
      %add3A_1126 = arith.addf %mul3A_1125, %get3A_12 : vector<16xf32>
      %max3A_1127 = arith.constant 0.000000e+00 : f32
      %max3A_1128 = vector.broadcast %max3A_1127 : f32 to vector<16xf32>
      %max3A_1129 = arith.maximumf %add3A_1126, %max3A_1128 : vector<16xf32>
      %add3A_1130 = arith.constant 16 : i32
      %add3A_1131 = arith.addi %mul3A_1121, %add3A_1130 : i32
      %get3A_1132 = arith.index_cast %add3A_1131 : i32 to index
      %get3A_1133 = tpu.vector_load %arg7[%get3A_1132] {strides = array<i32>} : memref<48000xf32, #tpu.memory_space<vmem>>, vector<16xf32>,
      %get3A_1134 = vector.shape_cast %get3A_1133 : vector<16xf32> to vector<16xf32>
      %mul3A_1135 = arith.mulf %get3A_1134, %get3A_9 : vector<16xf32>
      %add3A_1136 = arith.addf %mul3A_1135, %get3A_15 : vector<16xf32>
      %max3A_1137 = arith.constant 0.000000e+00 : f32
      %max3A_1138 = vector.broadcast %max3A_1137 : f32 to vector<16xf32>
      %max3A_1139 = arith.maximumf %add3A_1136, %max3A_1138 : vector<16xf32>
      %mul3A_1140 = arith.mulf %max3A_1091, %get3A_1112 : vector<16xf32>
      %max3A_1141 = arith.maximumf %max3A_1129, %mul3A_1140 : vector<16xf32>
      %mul3A_1142 = arith.mulf %max3A_1093, %get3A_1112 : vector<16xf32>
      %max3A_1143 = arith.maximumf %max3A_1139, %mul3A_1142 : vector<16xf32>
      %mul3A_1144 = arith.mulf %max3A_1129, %mul3A_1113 : vector<16xf32>
      %max3A_1145 = arith.maximumf %max3A_1095, %mul3A_1144 : vector<16xf32>
      %mul3A_1146 = arith.mulf %max3A_1139, %mul3A_1113 : vector<16xf32>
      %max3A_1147 = arith.maximumf %max3A_1097, %mul3A_1146 : vector<16xf32>
      %swap3A_1148 = arith.index_cast %mul3A_1121 : i32 to index
      %swap3A_1149 = tpu.vector_load %arg7[%swap3A_1148] {strides = array<i32>} : memref<48000xf32, #tpu.memory_space<vmem>>, vector<16xf32>,
      %swap3A_1150 = vector.shape_cast %swap3A_1149 : vector<16xf32> to vector<16xf32>
      %swap3A_1151 = vector.shape_cast %max3A_1141 : vector<16xf32> to vector<16xf32>
      tpu.vector_store %arg7[%swap3A_1148], %swap3A_1151 {strides = array<i32>} : memref<48000xf32, #tpu.memory_space<vmem>>, vector<16xf32>,
      %add3A_1152 = arith.constant 16 : i32
      %add3A_1153 = arith.addi %mul3A_1121, %add3A_1152 : i32
      %swap3A_1154 = arith.index_cast %add3A_1153 : i32 to index
      %swap3A_1155 = tpu.vector_load %arg7[%swap3A_1154] {strides = array<i32>} : memref<48000xf32, #tpu.memory_space<vmem>>, vector<16xf32>,
      %swap3A_1156 = vector.shape_cast %swap3A_1155 : vector<16xf32> to vector<16xf32>
      %swap3A_1157 = vector.shape_cast %max3A_1143 : vector<16xf32> to vector<16xf32>
      tpu.vector_store %arg7[%swap3A_1154], %swap3A_1157 {strides = array<i32>} : memref<48000xf32, #tpu.memory_space<vmem>>, vector<16xf32>,
      scf.yield %max3A_1141, %max3A_1143, %max3A_1145, %max3A_1147, %mul3A_1113 : vector<16xf32>, vector<16xf32>, vector<16xf32>, vector<16xf32>, vector<16xf32>
    }
    %scan3A_47 = arith.constant 749 : i32
    %get3A_48 = arith.constant 23984 : index
    %get3A_49 = tpu.vector_load %arg8[%get3A_48] {strides = array<i32>} : memref<24064xf32, #tpu.memory_space<vmem>>, vector<16xf32>,
    %get3A_50 = vector.shape_cast %get3A_49 : vector<16xf32> to vector<16xf32>
    %mul3A_51 = arith.mulf %scan3A_46#4, %get3A_50 : vector<16xf32>
    %swap3A_52 = arith.constant 23984 : index
    %swap3A_53 = tpu.vector_load %arg9[%swap3A_52] {strides = array<i32>} : memref<24000xf32, #tpu.memory_space<vmem>>, vector<16xf32>,
    %swap3A_54 = vector.shape_cast %swap3A_53 : vector<16xf32> to vector<16xf32>
    %swap3A_55 = vector.shape_cast %mul3A_51 : vector<16xf32> to vector<16xf32>
    tpu.vector_store %arg9[%swap3A_52], %swap3A_55 {strides = array<i32>} : memref<24000xf32, #tpu.memory_space<vmem>>, vector<16xf32>,
    %get3A_56 = arith.constant 47968 : index
    %get3A_57 = tpu.vector_load %arg7[%get3A_56] {strides = array<i32>} : memref<48000xf32, #tpu.memory_space<vmem>>, vector<16xf32>,
    %get3A_58 = vector.shape_cast %get3A_57 : vector<16xf32> to vector<16xf32>
    %mul3A_59 = arith.mulf %get3A_58, %get3A_6 : vector<16xf32>
    %add3A_60 = arith.addf %mul3A_59, %get3A_12 : vector<16xf32>
    %max3A_61 = arith.constant 0.000000e+00 : f32
    %max3A_62 = vector.broadcast %max3A_61 : f32 to vector<16xf32>
    %max3A_63 = arith.maximumf %add3A_60, %max3A_62 : vector<16xf32>
    %get3A_64 = arith.constant 47984 : index
    %get3A_65 = tpu.vector_load %arg7[%get3A_64] {strides = array<i32>} : memref<48000xf32, #tpu.memory_space<vmem>>, vector<16xf32>,
    %get3A_66 = vector.shape_cast %get3A_65 : vector<16xf32> to vector<16xf32>
    %mul3A_67 = arith.mulf %get3A_66, %get3A_9 : vector<16xf32>
    %add3A_68 = arith.addf %mul3A_67, %get3A_15 : vector<16xf32>
    %max3A_69 = arith.constant 0.000000e+00 : f32
    %max3A_70 = vector.broadcast %max3A_69 : f32 to vector<16xf32>
    %max3A_71 = arith.maximumf %add3A_68, %max3A_70 : vector<16xf32>
    %mul3A_72 = arith.mulf %scan3A_46#0, %get3A_50 : vector<16xf32>
    %max3A_73 = arith.maximumf %max3A_63, %mul3A_72 : vector<16xf32>
    %mul3A_74 = arith.mulf %scan3A_46#1, %get3A_50 : vector<16xf32>
    %max3A_75 = arith.maximumf %max3A_71, %mul3A_74 : vector<16xf32>
    %mul3A_76 = arith.mulf %max3A_63, %mul3A_51 : vector<16xf32>
    %max3A_77 = arith.maximumf %scan3A_46#2, %mul3A_76 : vector<16xf32>
    %mul3A_78 = arith.mulf %max3A_71, %mul3A_51 : vector<16xf32>
    %max3A_79 = arith.maximumf %scan3A_46#3, %mul3A_78 : vector<16xf32>
    %swap3A_80 = arith.constant 47968 : index
    %swap3A_81 = tpu.vector_load %arg7[%swap3A_80] {strides = array<i32>} : memref<48000xf32, #tpu.memory_space<vmem>>, vector<16xf32>,
    %swap3A_82 = vector.shape_cast %swap3A_81 : vector<16xf32> to vector<16xf32>
    %swap3A_83 = vector.shape_cast %max3A_73 : vector<16xf32> to vector<16xf32>
    tpu.vector_store %arg7[%swap3A_80], %swap3A_83 {strides = array<i32>} : memref<48000xf32, #tpu.memory_space<vmem>>, vector<16xf32>,
    %swap3A_84 = arith.constant 47984 : index
    %swap3A_85 = tpu.vector_load %arg7[%swap3A_84] {strides = array<i32>} : memref<48000xf32, #tpu.memory_space<vmem>>, vector<16xf32>,
    %swap3A_86 = vector.shape_cast %swap3A_85 : vector<16xf32> to vector<16xf32>
    %swap3A_87 = vector.shape_cast %max3A_75 : vector<16xf32> to vector<16xf32>
    tpu.vector_store %arg7[%swap3A_84], %swap3A_87 {strides = array<i32>} : memref<48000xf32, #tpu.memory_space<vmem>>, vector<16xf32>,
    %swap3A_88 = arith.constant 0 : index
    %swap3A_89 = tpu.vector_load %arg12[%swap3A_88] {strides = array<i32>} : memref<64xf32, #tpu.memory_space<vmem>>, vector<16xf32>,
    %swap3A_90 = vector.shape_cast %swap3A_89 : vector<16xf32> to vector<16xf32>
    %swap3A_91 = vector.shape_cast %max3A_77 : vector<16xf32> to vector<16xf32>
    tpu.vector_store %arg12[%swap3A_88], %swap3A_91 {strides = array<i32>} : memref<64xf32, #tpu.memory_space<vmem>>, vector<16xf32>,
    %swap3A_92 = arith.constant 16 : index
    %swap3A_93 = tpu.vector_load %arg12[%swap3A_92] {strides = array<i32>} : memref<64xf32, #tpu.memory_space<vmem>>, vector<16xf32>,
    %swap3A_94 = vector.shape_cast %swap3A_93 : vector<16xf32> to vector<16xf32>
    %swap3A_95 = vector.shape_cast %max3A_79 : vector<16xf32> to vector<16xf32>
    tpu.vector_store %arg12[%swap3A_92], %swap3A_95 {strides = array<i32>} : memref<64xf32, #tpu.memory_space<vmem>>, vector<16xf32>,
    %swap3A_96 = arith.constant 32 : index
    %swap3A_97 = tpu.vector_load %arg12[%swap3A_96] {strides = array<i32>} : memref<64xf32, #tpu.memory_space<vmem>>, vector<16xf32>,
    %swap3A_98 = vector.shape_cast %swap3A_97 : vector<16xf32> to vector<16xf32>
    %swap3A_99 = vector.shape_cast %max3A_73 : vector<16xf32> to vector<16xf32>
    tpu.vector_store %arg12[%swap3A_96], %swap3A_99 {strides = array<i32>} : memref<64xf32, #tpu.memory_space<vmem>>, vector<16xf32>,
    %swap3A_100 = arith.constant 48 : index
    %swap3A_101 = tpu.vector_load %arg12[%swap3A_100] {strides = array<i32>} : memref<64xf32, #tpu.memory_space<vmem>>, vector<16xf32>,
    %swap3A_102 = vector.shape_cast %swap3A_101 : vector<16xf32> to vector<16xf32>
    %swap3A_103 = vector.shape_cast %max3A_75 : vector<16xf32> to vector<16xf32>
    tpu.vector_store %arg12[%swap3A_100], %swap3A_103 {strides = array<i32>} : memref<64xf32, #tpu.memory_space<vmem>>, vector<16xf32>,
    %mul3A_104 = arith.constant 64 : i32
    %mul3A_105 = arith.muli %add3A, %mul3A_104 : i32
    "tpu.region"() ({
      %run_scoped3A = tpu.sem_alloc : memref<!tpu.dma_semaphore, #tpu.memory_space<semaphore_mem>>
      %dma_start3A = tpu.memref_slice %arg14[%mul3A_105] : memref<2048xf32, #tpu.memory_space<vmem_shared>> -> memref<64xf32, #tpu.memory_space<vmem_shared>>
      %dma_start3A_1046 = tpu.memref_slice %arg14[%mul3A_105] : memref<2048xf32, #tpu.memory_space<vmem_shared>> -> memref<64xf32, #tpu.memory_space<vmem_shared>>
      tpu.enqueue_dma source(%arg12 : memref<64xf32, #tpu.memory_space<vmem>>) target(%dma_start3A_1046 : memref<64xf32, #tpu.memory_space<vmem_shared>>) target_semaphore(%run_scoped3A : memref<!tpu.dma_semaphore, #tpu.memory_space<semaphore_mem>>)
      %dma_wait3A = tpu.memref_slice %arg14[%mul3A_105] : memref<2048xf32, #tpu.memory_space<vmem_shared>> -> memref<64xf32, #tpu.memory_space<vmem_shared>>
      %dma_wait3A_1047 = tpu.memref_slice %arg14[%mul3A_105] : memref<2048xf32, #tpu.memory_space<vmem_shared>> -> memref<64xf32, #tpu.memory_space<vmem_shared>>
      tpu.wait_dma2 semaphore(%run_scoped3A : memref<!tpu.dma_semaphore, #tpu.memory_space<semaphore_mem>>) src(%arg12 : memref<64xf32, #tpu.memory_space<vmem>>) dst(%dma_wait3A_1047 : memref<64xf32, #tpu.memory_space<vmem_shared>>)
      tpu.yield
    }) : () -> ()
    %barrier3A = arith.constant 0 : index
    tpu.barrier barrier_id(%barrier3A)
    %jit3A = arith.constant 8 : i32
    %div3A = arith.divsi %add3A, %jit3A : i32
    %sign3A = arith.constant 0 : i32
    %sign3A_106 = arith.cmpi sgt, %add3A, %sign3A : i32
    %sign3A_107 = arith.extui %sign3A_106 : i1 to i32
    %sign3A_108 = arith.constant 0 : i32
    %sign3A_109 = arith.cmpi slt, %add3A, %sign3A_108 : i32
    %sign3A_110 = arith.extui %sign3A_109 : i1 to i32
    %sign3A_111 = arith.subi %sign3A_107, %sign3A_110 : i32
    %sign3A_112 = arith.constant 0 : i32
    %sign3A_113 = arith.cmpi sgt, %jit3A, %sign3A_112 : i32
    %sign3A_114 = arith.extui %sign3A_113 : i1 to i32
    %sign3A_115 = arith.constant 0 : i32
    %sign3A_116 = arith.cmpi slt, %jit3A, %sign3A_115 : i32
    %sign3A_117 = arith.extui %sign3A_116 : i1 to i32
    %sign3A_118 = arith.subi %sign3A_114, %sign3A_117 : i32
    %ne3A = arith.cmpi ne, %sign3A_111, %sign3A_118 : i32
    %rem3A = arith.remsi %add3A, %jit3A : i32
    %ne3A_119 = arith.constant 0 : i32
    %ne3A_120 = arith.cmpi ne, %rem3A, %ne3A_119 : i32
    %and3A = arith.andi %ne3A, %ne3A_120 : i1
    %sub3A = arith.constant 1 : i32
    %sub3A_121 = arith.subi %div3A, %sub3A : i32
    %select_n3A = arith.select %and3A, %sub3A_121, %div3A : i32
    %mul3A_122 = arith.constant 8 : i32
    %mul3A_123 = arith.muli %mul3A_122, %select_n3A : i32
    %sub3A_124 = arith.subi %add3A, %mul3A_123 : i32
    %mul3A_125 = arith.constant 512 : i32
    %mul3A_126 = arith.muli %select_n3A, %mul3A_125 : i32
    "tpu.region"() ({
      %run_scoped3A = tpu.sem_alloc : memref<!tpu.dma_semaphore, #tpu.memory_space<semaphore_mem>>
      %dma_start3A = tpu.memref_slice %arg14[%mul3A_126] : memref<2048xf32, #tpu.memory_space<vmem_shared>> -> memref<512xf32, #tpu.memory_space<vmem_shared>>
      %dma_start3A_1046 = tpu.memref_slice %arg14[%mul3A_126] : memref<2048xf32, #tpu.memory_space<vmem_shared>> -> memref<512xf32, #tpu.memory_space<vmem_shared>>
      tpu.enqueue_dma source(%dma_start3A_1046 : memref<512xf32, #tpu.memory_space<vmem_shared>>) target(%arg13 : memref<512xf32, #tpu.memory_space<vmem>>) target_semaphore(%run_scoped3A : memref<!tpu.dma_semaphore, #tpu.memory_space<semaphore_mem>>)
      %dma_wait3A = tpu.memref_slice %arg14[%mul3A_126] : memref<2048xf32, #tpu.memory_space<vmem_shared>> -> memref<512xf32, #tpu.memory_space<vmem_shared>>
      %dma_wait3A_1047 = tpu.memref_slice %arg14[%mul3A_126] : memref<2048xf32, #tpu.memory_space<vmem_shared>> -> memref<512xf32, #tpu.memory_space<vmem_shared>>
      tpu.wait_dma2 semaphore(%run_scoped3A : memref<!tpu.dma_semaphore, #tpu.memory_space<semaphore_mem>>) src(%dma_wait3A_1047 : memref<512xf32, #tpu.memory_space<vmem_shared>>) dst(%arg13 : memref<512xf32, #tpu.memory_space<vmem>>)
      tpu.yield
    }) : () -> ()
    %mul3A_127 = arith.constant 64 : i32
    %mul3A_128 = arith.muli %sub3A_124, %mul3A_127 : i32
    %get3A_129 = arith.index_cast %mul3A_128 : i32 to index
    %get3A_130 = tpu.vector_load %arg13[%get3A_129] {strides = array<i32>} : memref<512xf32, #tpu.memory_space<vmem>>, vector<16xf32>,
    %get3A_131 = vector.shape_cast %get3A_130 : vector<16xf32> to vector<16xf32>
    %add3A_132 = arith.constant 16 : i32
    %add3A_133 = arith.addi %mul3A_128, %add3A_132 : i32
    %get3A_134 = arith.index_cast %add3A_133 : i32 to index
    %get3A_135 = tpu.vector_load %arg13[%get3A_134] {strides = array<i32>} : memref<512xf32, #tpu.memory_space<vmem>>, vector<16xf32>,
    %get3A_136 = vector.shape_cast %get3A_135 : vector<16xf32> to vector<16xf32>
    %add3A_137 = arith.constant 32 : i32
    %add3A_138 = arith.addi %mul3A_128, %add3A_137 : i32
    %get3A_139 = arith.index_cast %add3A_138 : i32 to index
    %get3A_140 = tpu.vector_load %arg13[%get3A_139] {strides = array<i32>} : memref<512xf32, #tpu.memory_space<vmem>>, vector<16xf32>,
    %get3A_141 = vector.shape_cast %get3A_140 : vector<16xf32> to vector<16xf32>
    %add3A_142 = arith.constant 48 : i32
    %add3A_143 = arith.addi %mul3A_128, %add3A_142 : i32
    %get3A_144 = arith.index_cast %add3A_143 : i32 to index
    %get3A_145 = tpu.vector_load %arg13[%get3A_144] {strides = array<i32>} : memref<512xf32, #tpu.memory_space<vmem>>, vector<16xf32>,
    %get3A_146 = vector.shape_cast %get3A_145 : vector<16xf32> to vector<16xf32>
    %mul3A_147 = arith.constant 32 : i32
    %mul3A_148 = arith.muli %add3A, %mul3A_147 : i32
    %get3A_149 = arith.index_cast %mul3A_148 : i32 to index
    %get3A_150 = tpu.vector_load %arg10[%get3A_149] {strides = array<i32>} : memref<1024xi32, #tpu.memory_space<vmem>>, vector<16xi32>,
    %get3A_151 = vector.shape_cast %get3A_150 : vector<16xi32> to vector<16xi32>
    %mul3A_152 = arith.constant 32 : i32
    %mul3A_153 = arith.muli %add3A, %mul3A_152 : i32
    %add3A_154 = arith.constant 16 : i32
    %add3A_155 = arith.addi %mul3A_153, %add3A_154 : i32
    %get3A_156 = arith.index_cast %add3A_155 : i32 to index
    %get3A_157 = tpu.vector_load %arg10[%get3A_156] {strides = array<i32>} : memref<1024xi32, #tpu.memory_space<vmem>>, vector<16xi32>,
    %get3A_158 = vector.shape_cast %get3A_157 : vector<16xi32> to vector<16xi32>
    %broadcast_in_dim3A_159 = arith.constant 1.000000e+00 : f32
    %broadcast_in_dim3A_160 = vector.broadcast %broadcast_in_dim3A_159 : f32 to vector<16xf32>
    %sub3A_161 = arith.constant 1 : i32
    %sub3A_162 = arith.subi %sub3A_124, %sub3A_161 : i32
    %broadcast_in_dim3A_163 = vector.broadcast %sub3A_162 : i32 to vector<16xi32>
    %ge3A = arith.constant 0 : i32
    %ge3A_164 = vector.broadcast %ge3A : i32 to vector<16xi32>
    %ge3A_165 = arith.cmpi sge, %broadcast_in_dim3A_163, %ge3A_164 : vector<16xi32>
    %jit3A_166 = arith.constant 1.000000e+00 : f32
    %jit3A_167 = arith.constant 0.000000e+00 : f32
    %broadcast_in_dim3A_168 = vector.broadcast %jit3A_166 : f32 to vector<16xf32>
    %broadcast_in_dim3A_169 = vector.broadcast %jit3A_167 : f32 to vector<16xf32>
    %select_n3A_170 = arith.select %ge3A_165, %broadcast_in_dim3A_168, %broadcast_in_dim3A_169 : vector<16xi1>, vector<16xf32>
    %max3A_171 = arith.constant 0 : i32
    %max3A_172 = arith.maxsi %sub3A_162, %max3A_171 : i32
    %mul3A_173 = arith.constant 8 : i32
    %mul3A_174 = arith.muli %mul3A_173, %select_n3A : i32
    %add3A_175 = arith.addi %mul3A_174, %max3A_172 : i32
    %mul3A_176 = arith.constant 32 : i32
    %mul3A_177 = arith.muli %add3A_175, %mul3A_176 : i32
    %get3A_178 = arith.index_cast %mul3A_177 : i32 to index
    %get3A_179 = tpu.vector_load %arg10[%get3A_178] {strides = array<i32>} : memref<1024xi32, #tpu.memory_space<vmem>>, vector<16xi32>,
    %get3A_180 = vector.shape_cast %get3A_179 : vector<16xi32> to vector<16xi32>
    %mul3A_181 = arith.constant 32 : i32
    %mul3A_182 = arith.muli %add3A_175, %mul3A_181 : i32
    %add3A_183 = arith.constant 16 : i32
    %add3A_184 = arith.addi %mul3A_182, %add3A_183 : i32
    %get3A_185 = arith.index_cast %add3A_184 : i32 to index
    %get3A_186 = tpu.vector_load %arg10[%get3A_185] {strides = array<i32>} : memref<1024xi32, #tpu.memory_space<vmem>>, vector<16xi32>,
    %get3A_187 = vector.shape_cast %get3A_186 : vector<16xi32> to vector<16xi32>
    %eq3A = arith.cmpi eq, %get3A_187, %get3A_151 : vector<16xi32>
    %jit3A_188 = arith.constant 1.000000e+00 : f32
    %jit3A_189 = arith.constant 0.000000e+00 : f32
    %broadcast_in_dim3A_190 = vector.broadcast %jit3A_188 : f32 to vector<16xf32>
    %broadcast_in_dim3A_191 = vector.broadcast %jit3A_189 : f32 to vector<16xf32>
    %select_n3A_192 = arith.select %eq3A, %broadcast_in_dim3A_190, %broadcast_in_dim3A_191 : vector<16xi1>, vector<16xf32>
    %mul3A_193 = arith.mulf %broadcast_in_dim3A_160, %select_n3A_192 : vector<16xf32>
    %mul3A_194 = arith.mulf %mul3A_193, %select_n3A_170 : vector<16xf32>
    %mul3A_195 = arith.constant 64 : i32
    %mul3A_196 = arith.muli %max3A_172, %mul3A_195 : i32
    %add3A_197 = arith.constant 32 : i32
    %add3A_198 = arith.addi %mul3A_196, %add3A_197 : i32
    %get3A_199 = arith.index_cast %add3A_198 : i32 to index
    %get3A_200 = tpu.vector_load %arg13[%get3A_199] {strides = array<i32>} : memref<512xf32, #tpu.memory_space<vmem>>, vector<16xf32>,
    %get3A_201 = vector.shape_cast %get3A_200 : vector<16xf32> to vector<16xf32>
    %mul3A_202 = arith.mulf %get3A_201, %mul3A_194 : vector<16xf32>
    %max3A_203 = arith.maximumf %get3A_131, %mul3A_202 : vector<16xf32>
    %mul3A_204 = arith.constant 64 : i32
    %mul3A_205 = arith.muli %max3A_172, %mul3A_204 : i32
    %add3A_206 = arith.constant 48 : i32
    %add3A_207 = arith.addi %mul3A_205, %add3A_206 : i32
    %get3A_208 = arith.index_cast %add3A_207 : i32 to index
    %get3A_209 = tpu.vector_load %arg13[%get3A_208] {strides = array<i32>} : memref<512xf32, #tpu.memory_space<vmem>>, vector<16xf32>,
    %get3A_210 = vector.shape_cast %get3A_209 : vector<16xf32> to vector<16xf32>
    %mul3A_211 = arith.mulf %get3A_210, %mul3A_194 : vector<16xf32>
    %max3A_212 = arith.maximumf %get3A_136, %mul3A_211 : vector<16xf32>
    %eq3A_213 = arith.cmpi eq, %get3A_180, %get3A_187 : vector<16xi32>
    %jit3A_214 = arith.constant 1.000000e+00 : f32
    %jit3A_215 = arith.constant 0.000000e+00 : f32
    %broadcast_in_dim3A_216 = vector.broadcast %jit3A_214 : f32 to vector<16xf32>
    %broadcast_in_dim3A_217 = vector.broadcast %jit3A_215 : f32 to vector<16xf32>
    %select_n3A_218 = arith.select %eq3A_213, %broadcast_in_dim3A_216, %broadcast_in_dim3A_217 : vector<16xi1>, vector<16xf32>
    %mul3A_219 = arith.mulf %mul3A_194, %select_n3A_218 : vector<16xf32>
    %sub3A_220 = arith.constant 2 : i32
    %sub3A_221 = arith.subi %sub3A_124, %sub3A_220 : i32
    %broadcast_in_dim3A_222 = vector.broadcast %sub3A_221 : i32 to vector<16xi32>
    %ge3A_223 = arith.constant 0 : i32
    %ge3A_224 = vector.broadcast %ge3A_223 : i32 to vector<16xi32>
    %ge3A_225 = arith.cmpi sge, %broadcast_in_dim3A_222, %ge3A_224 : vector<16xi32>
    %jit3A_226 = arith.constant 1.000000e+00 : f32
    %jit3A_227 = arith.constant 0.000000e+00 : f32
    %broadcast_in_dim3A_228 = vector.broadcast %jit3A_226 : f32 to vector<16xf32>
    %broadcast_in_dim3A_229 = vector.broadcast %jit3A_227 : f32 to vector<16xf32>
    %select_n3A_230 = arith.select %ge3A_225, %broadcast_in_dim3A_228, %broadcast_in_dim3A_229 : vector<16xi1>, vector<16xf32>
    %max3A_231 = arith.constant 0 : i32
    %max3A_232 = arith.maxsi %sub3A_221, %max3A_231 : i32
    %mul3A_233 = arith.constant 8 : i32
    %mul3A_234 = arith.muli %mul3A_233, %select_n3A : i32
    %add3A_235 = arith.addi %mul3A_234, %max3A_232 : i32
    %mul3A_236 = arith.constant 32 : i32
    %mul3A_237 = arith.muli %add3A_235, %mul3A_236 : i32
    %get3A_238 = arith.index_cast %mul3A_237 : i32 to index
    %get3A_239 = tpu.vector_load %arg10[%get3A_238] {strides = array<i32>} : memref<1024xi32, #tpu.memory_space<vmem>>, vector<16xi32>,
    %get3A_240 = vector.shape_cast %get3A_239 : vector<16xi32> to vector<16xi32>
    %mul3A_241 = arith.constant 32 : i32
    %mul3A_242 = arith.muli %add3A_235, %mul3A_241 : i32
    %add3A_243 = arith.constant 16 : i32
    %add3A_244 = arith.addi %mul3A_242, %add3A_243 : i32
    %get3A_245 = arith.index_cast %add3A_244 : i32 to index
    %get3A_246 = tpu.vector_load %arg10[%get3A_245] {strides = array<i32>} : memref<1024xi32, #tpu.memory_space<vmem>>, vector<16xi32>,
    %get3A_247 = vector.shape_cast %get3A_246 : vector<16xi32> to vector<16xi32>
    %eq3A_248 = arith.cmpi eq, %get3A_247, %get3A_151 : vector<16xi32>
    %jit3A_249 = arith.constant 1.000000e+00 : f32
    %jit3A_250 = arith.constant 0.000000e+00 : f32
    %broadcast_in_dim3A_251 = vector.broadcast %jit3A_249 : f32 to vector<16xf32>
    %broadcast_in_dim3A_252 = vector.broadcast %jit3A_250 : f32 to vector<16xf32>
    %select_n3A_253 = arith.select %eq3A_248, %broadcast_in_dim3A_251, %broadcast_in_dim3A_252 : vector<16xi1>, vector<16xf32>
    %mul3A_254 = arith.mulf %mul3A_219, %select_n3A_253 : vector<16xf32>
    %mul3A_255 = arith.mulf %mul3A_254, %select_n3A_230 : vector<16xf32>
    %mul3A_256 = arith.constant 64 : i32
    %mul3A_257 = arith.muli %max3A_232, %mul3A_256 : i32
    %add3A_258 = arith.constant 32 : i32
    %add3A_259 = arith.addi %mul3A_257, %add3A_258 : i32
    %get3A_260 = arith.index_cast %add3A_259 : i32 to index
    %get3A_261 = tpu.vector_load %arg13[%get3A_260] {strides = array<i32>} : memref<512xf32, #tpu.memory_space<vmem>>, vector<16xf32>,
    %get3A_262 = vector.shape_cast %get3A_261 : vector<16xf32> to vector<16xf32>
    %mul3A_263 = arith.mulf %get3A_262, %mul3A_255 : vector<16xf32>
    %max3A_264 = arith.maximumf %max3A_203, %mul3A_263 : vector<16xf32>
    %mul3A_265 = arith.constant 64 : i32
    %mul3A_266 = arith.muli %max3A_232, %mul3A_265 : i32
    %add3A_267 = arith.constant 48 : i32
    %add3A_268 = arith.addi %mul3A_266, %add3A_267 : i32
    %get3A_269 = arith.index_cast %add3A_268 : i32 to index
    %get3A_270 = tpu.vector_load %arg13[%get3A_269] {strides = array<i32>} : memref<512xf32, #tpu.memory_space<vmem>>, vector<16xf32>,
    %get3A_271 = vector.shape_cast %get3A_270 : vector<16xf32> to vector<16xf32>
    %mul3A_272 = arith.mulf %get3A_271, %mul3A_255 : vector<16xf32>
    %max3A_273 = arith.maximumf %max3A_212, %mul3A_272 : vector<16xf32>
    %eq3A_274 = arith.cmpi eq, %get3A_240, %get3A_247 : vector<16xi32>
    %jit3A_275 = arith.constant 1.000000e+00 : f32
    %jit3A_276 = arith.constant 0.000000e+00 : f32
    %broadcast_in_dim3A_277 = vector.broadcast %jit3A_275 : f32 to vector<16xf32>
    %broadcast_in_dim3A_278 = vector.broadcast %jit3A_276 : f32 to vector<16xf32>
    %select_n3A_279 = arith.select %eq3A_274, %broadcast_in_dim3A_277, %broadcast_in_dim3A_278 : vector<16xi1>, vector<16xf32>
    %mul3A_280 = arith.mulf %mul3A_255, %select_n3A_279 : vector<16xf32>
    %sub3A_281 = arith.constant 3 : i32
    %sub3A_282 = arith.subi %sub3A_124, %sub3A_281 : i32
    %broadcast_in_dim3A_283 = vector.broadcast %sub3A_282 : i32 to vector<16xi32>
    %ge3A_284 = arith.constant 0 : i32
    %ge3A_285 = vector.broadcast %ge3A_284 : i32 to vector<16xi32>
    %ge3A_286 = arith.cmpi sge, %broadcast_in_dim3A_283, %ge3A_285 : vector<16xi32>
    %jit3A_287 = arith.constant 1.000000e+00 : f32
    %jit3A_288 = arith.constant 0.000000e+00 : f32
    %broadcast_in_dim3A_289 = vector.broadcast %jit3A_287 : f32 to vector<16xf32>
    %broadcast_in_dim3A_290 = vector.broadcast %jit3A_288 : f32 to vector<16xf32>
    %select_n3A_291 = arith.select %ge3A_286, %broadcast_in_dim3A_289, %broadcast_in_dim3A_290 : vector<16xi1>, vector<16xf32>
    %max3A_292 = arith.constant 0 : i32
    %max3A_293 = arith.maxsi %sub3A_282, %max3A_292 : i32
    %mul3A_294 = arith.constant 8 : i32
    %mul3A_295 = arith.muli %mul3A_294, %select_n3A : i32
    %add3A_296 = arith.addi %mul3A_295, %max3A_293 : i32
    %mul3A_297 = arith.constant 32 : i32
    %mul3A_298 = arith.muli %add3A_296, %mul3A_297 : i32
    %get3A_299 = arith.index_cast %mul3A_298 : i32 to index
    %get3A_300 = tpu.vector_load %arg10[%get3A_299] {strides = array<i32>} : memref<1024xi32, #tpu.memory_space<vmem>>, vector<16xi32>,
    %get3A_301 = vector.shape_cast %get3A_300 : vector<16xi32> to vector<16xi32>
    %mul3A_302 = arith.constant 32 : i32
    %mul3A_303 = arith.muli %add3A_296, %mul3A_302 : i32
    %add3A_304 = arith.constant 16 : i32
    %add3A_305 = arith.addi %mul3A_303, %add3A_304 : i32
    %get3A_306 = arith.index_cast %add3A_305 : i32 to index
    %get3A_307 = tpu.vector_load %arg10[%get3A_306] {strides = array<i32>} : memref<1024xi32, #tpu.memory_space<vmem>>, vector<16xi32>,
    %get3A_308 = vector.shape_cast %get3A_307 : vector<16xi32> to vector<16xi32>
    %eq3A_309 = arith.cmpi eq, %get3A_308, %get3A_151 : vector<16xi32>
    %jit3A_310 = arith.constant 1.000000e+00 : f32
    %jit3A_311 = arith.constant 0.000000e+00 : f32
    %broadcast_in_dim3A_312 = vector.broadcast %jit3A_310 : f32 to vector<16xf32>
    %broadcast_in_dim3A_313 = vector.broadcast %jit3A_311 : f32 to vector<16xf32>
    %select_n3A_314 = arith.select %eq3A_309, %broadcast_in_dim3A_312, %broadcast_in_dim3A_313 : vector<16xi1>, vector<16xf32>
    %mul3A_315 = arith.mulf %mul3A_280, %select_n3A_314 : vector<16xf32>
    %mul3A_316 = arith.mulf %mul3A_315, %select_n3A_291 : vector<16xf32>
    %mul3A_317 = arith.constant 64 : i32
    %mul3A_318 = arith.muli %max3A_293, %mul3A_317 : i32
    %add3A_319 = arith.constant 32 : i32
    %add3A_320 = arith.addi %mul3A_318, %add3A_319 : i32
    %get3A_321 = arith.index_cast %add3A_320 : i32 to index
    %get3A_322 = tpu.vector_load %arg13[%get3A_321] {strides = array<i32>} : memref<512xf32, #tpu.memory_space<vmem>>, vector<16xf32>,
    %get3A_323 = vector.shape_cast %get3A_322 : vector<16xf32> to vector<16xf32>
    %mul3A_324 = arith.mulf %get3A_323, %mul3A_316 : vector<16xf32>
    %max3A_325 = arith.maximumf %max3A_264, %mul3A_324 : vector<16xf32>
    %mul3A_326 = arith.constant 64 : i32
    %mul3A_327 = arith.muli %max3A_293, %mul3A_326 : i32
    %add3A_328 = arith.constant 48 : i32
    %add3A_329 = arith.addi %mul3A_327, %add3A_328 : i32
    %get3A_330 = arith.index_cast %add3A_329 : i32 to index
    %get3A_331 = tpu.vector_load %arg13[%get3A_330] {strides = array<i32>} : memref<512xf32, #tpu.memory_space<vmem>>, vector<16xf32>,
    %get3A_332 = vector.shape_cast %get3A_331 : vector<16xf32> to vector<16xf32>
    %mul3A_333 = arith.mulf %get3A_332, %mul3A_316 : vector<16xf32>
    %max3A_334 = arith.maximumf %max3A_273, %mul3A_333 : vector<16xf32>
    %eq3A_335 = arith.cmpi eq, %get3A_301, %get3A_308 : vector<16xi32>
    %jit3A_336 = arith.constant 1.000000e+00 : f32
    %jit3A_337 = arith.constant 0.000000e+00 : f32
    %broadcast_in_dim3A_338 = vector.broadcast %jit3A_336 : f32 to vector<16xf32>
    %broadcast_in_dim3A_339 = vector.broadcast %jit3A_337 : f32 to vector<16xf32>
    %select_n3A_340 = arith.select %eq3A_335, %broadcast_in_dim3A_338, %broadcast_in_dim3A_339 : vector<16xi1>, vector<16xf32>
    %mul3A_341 = arith.mulf %mul3A_316, %select_n3A_340 : vector<16xf32>
    %sub3A_342 = arith.constant 4 : i32
    %sub3A_343 = arith.subi %sub3A_124, %sub3A_342 : i32
    %broadcast_in_dim3A_344 = vector.broadcast %sub3A_343 : i32 to vector<16xi32>
    %ge3A_345 = arith.constant 0 : i32
    %ge3A_346 = vector.broadcast %ge3A_345 : i32 to vector<16xi32>
    %ge3A_347 = arith.cmpi sge, %broadcast_in_dim3A_344, %ge3A_346 : vector<16xi32>
    %jit3A_348 = arith.constant 1.000000e+00 : f32
    %jit3A_349 = arith.constant 0.000000e+00 : f32
    %broadcast_in_dim3A_350 = vector.broadcast %jit3A_348 : f32 to vector<16xf32>
    %broadcast_in_dim3A_351 = vector.broadcast %jit3A_349 : f32 to vector<16xf32>
    %select_n3A_352 = arith.select %ge3A_347, %broadcast_in_dim3A_350, %broadcast_in_dim3A_351 : vector<16xi1>, vector<16xf32>
    %max3A_353 = arith.constant 0 : i32
    %max3A_354 = arith.maxsi %sub3A_343, %max3A_353 : i32
    %mul3A_355 = arith.constant 8 : i32
    %mul3A_356 = arith.muli %mul3A_355, %select_n3A : i32
    %add3A_357 = arith.addi %mul3A_356, %max3A_354 : i32
    %mul3A_358 = arith.constant 32 : i32
    %mul3A_359 = arith.muli %add3A_357, %mul3A_358 : i32
    %get3A_360 = arith.index_cast %mul3A_359 : i32 to index
    %get3A_361 = tpu.vector_load %arg10[%get3A_360] {strides = array<i32>} : memref<1024xi32, #tpu.memory_space<vmem>>, vector<16xi32>,
    %get3A_362 = vector.shape_cast %get3A_361 : vector<16xi32> to vector<16xi32>
    %mul3A_363 = arith.constant 32 : i32
    %mul3A_364 = arith.muli %add3A_357, %mul3A_363 : i32
    %add3A_365 = arith.constant 16 : i32
    %add3A_366 = arith.addi %mul3A_364, %add3A_365 : i32
    %get3A_367 = arith.index_cast %add3A_366 : i32 to index
    %get3A_368 = tpu.vector_load %arg10[%get3A_367] {strides = array<i32>} : memref<1024xi32, #tpu.memory_space<vmem>>, vector<16xi32>,
    %get3A_369 = vector.shape_cast %get3A_368 : vector<16xi32> to vector<16xi32>
    %eq3A_370 = arith.cmpi eq, %get3A_369, %get3A_151 : vector<16xi32>
    %jit3A_371 = arith.constant 1.000000e+00 : f32
    %jit3A_372 = arith.constant 0.000000e+00 : f32
    %broadcast_in_dim3A_373 = vector.broadcast %jit3A_371 : f32 to vector<16xf32>
    %broadcast_in_dim3A_374 = vector.broadcast %jit3A_372 : f32 to vector<16xf32>
    %select_n3A_375 = arith.select %eq3A_370, %broadcast_in_dim3A_373, %broadcast_in_dim3A_374 : vector<16xi1>, vector<16xf32>
    %mul3A_376 = arith.mulf %mul3A_341, %select_n3A_375 : vector<16xf32>
    %mul3A_377 = arith.mulf %mul3A_376, %select_n3A_352 : vector<16xf32>
    %mul3A_378 = arith.constant 64 : i32
    %mul3A_379 = arith.muli %max3A_354, %mul3A_378 : i32
    %add3A_380 = arith.constant 32 : i32
    %add3A_381 = arith.addi %mul3A_379, %add3A_380 : i32
    %get3A_382 = arith.index_cast %add3A_381 : i32 to index
    %get3A_383 = tpu.vector_load %arg13[%get3A_382] {strides = array<i32>} : memref<512xf32, #tpu.memory_space<vmem>>, vector<16xf32>,
    %get3A_384 = vector.shape_cast %get3A_383 : vector<16xf32> to vector<16xf32>
    %mul3A_385 = arith.mulf %get3A_384, %mul3A_377 : vector<16xf32>
    %max3A_386 = arith.maximumf %max3A_325, %mul3A_385 : vector<16xf32>
    %mul3A_387 = arith.constant 64 : i32
    %mul3A_388 = arith.muli %max3A_354, %mul3A_387 : i32
    %add3A_389 = arith.constant 48 : i32
    %add3A_390 = arith.addi %mul3A_388, %add3A_389 : i32
    %get3A_391 = arith.index_cast %add3A_390 : i32 to index
    %get3A_392 = tpu.vector_load %arg13[%get3A_391] {strides = array<i32>} : memref<512xf32, #tpu.memory_space<vmem>>, vector<16xf32>,
    %get3A_393 = vector.shape_cast %get3A_392 : vector<16xf32> to vector<16xf32>
    %mul3A_394 = arith.mulf %get3A_393, %mul3A_377 : vector<16xf32>
    %max3A_395 = arith.maximumf %max3A_334, %mul3A_394 : vector<16xf32>
    %eq3A_396 = arith.cmpi eq, %get3A_362, %get3A_369 : vector<16xi32>
    %jit3A_397 = arith.constant 1.000000e+00 : f32
    %jit3A_398 = arith.constant 0.000000e+00 : f32
    %broadcast_in_dim3A_399 = vector.broadcast %jit3A_397 : f32 to vector<16xf32>
    %broadcast_in_dim3A_400 = vector.broadcast %jit3A_398 : f32 to vector<16xf32>
    %select_n3A_401 = arith.select %eq3A_396, %broadcast_in_dim3A_399, %broadcast_in_dim3A_400 : vector<16xi1>, vector<16xf32>
    %mul3A_402 = arith.mulf %mul3A_377, %select_n3A_401 : vector<16xf32>
    %sub3A_403 = arith.constant 5 : i32
    %sub3A_404 = arith.subi %sub3A_124, %sub3A_403 : i32
    %broadcast_in_dim3A_405 = vector.broadcast %sub3A_404 : i32 to vector<16xi32>
    %ge3A_406 = arith.constant 0 : i32
    %ge3A_407 = vector.broadcast %ge3A_406 : i32 to vector<16xi32>
    %ge3A_408 = arith.cmpi sge, %broadcast_in_dim3A_405, %ge3A_407 : vector<16xi32>
    %jit3A_409 = arith.constant 1.000000e+00 : f32
    %jit3A_410 = arith.constant 0.000000e+00 : f32
    %broadcast_in_dim3A_411 = vector.broadcast %jit3A_409 : f32 to vector<16xf32>
    %broadcast_in_dim3A_412 = vector.broadcast %jit3A_410 : f32 to vector<16xf32>
    %select_n3A_413 = arith.select %ge3A_408, %broadcast_in_dim3A_411, %broadcast_in_dim3A_412 : vector<16xi1>, vector<16xf32>
    %max3A_414 = arith.constant 0 : i32
    %max3A_415 = arith.maxsi %sub3A_404, %max3A_414 : i32
    %mul3A_416 = arith.constant 8 : i32
    %mul3A_417 = arith.muli %mul3A_416, %select_n3A : i32
    %add3A_418 = arith.addi %mul3A_417, %max3A_415 : i32
    %mul3A_419 = arith.constant 32 : i32
    %mul3A_420 = arith.muli %add3A_418, %mul3A_419 : i32
    %get3A_421 = arith.index_cast %mul3A_420 : i32 to index
    %get3A_422 = tpu.vector_load %arg10[%get3A_421] {strides = array<i32>} : memref<1024xi32, #tpu.memory_space<vmem>>, vector<16xi32>,
    %get3A_423 = vector.shape_cast %get3A_422 : vector<16xi32> to vector<16xi32>
    %mul3A_424 = arith.constant 32 : i32
    %mul3A_425 = arith.muli %add3A_418, %mul3A_424 : i32
    %add3A_426 = arith.constant 16 : i32
    %add3A_427 = arith.addi %mul3A_425, %add3A_426 : i32
    %get3A_428 = arith.index_cast %add3A_427 : i32 to index
    %get3A_429 = tpu.vector_load %arg10[%get3A_428] {strides = array<i32>} : memref<1024xi32, #tpu.memory_space<vmem>>, vector<16xi32>,
    %get3A_430 = vector.shape_cast %get3A_429 : vector<16xi32> to vector<16xi32>
    %eq3A_431 = arith.cmpi eq, %get3A_430, %get3A_151 : vector<16xi32>
    %jit3A_432 = arith.constant 1.000000e+00 : f32
    %jit3A_433 = arith.constant 0.000000e+00 : f32
    %broadcast_in_dim3A_434 = vector.broadcast %jit3A_432 : f32 to vector<16xf32>
    %broadcast_in_dim3A_435 = vector.broadcast %jit3A_433 : f32 to vector<16xf32>
    %select_n3A_436 = arith.select %eq3A_431, %broadcast_in_dim3A_434, %broadcast_in_dim3A_435 : vector<16xi1>, vector<16xf32>
    %mul3A_437 = arith.mulf %mul3A_402, %select_n3A_436 : vector<16xf32>
    %mul3A_438 = arith.mulf %mul3A_437, %select_n3A_413 : vector<16xf32>
    %mul3A_439 = arith.constant 64 : i32
    %mul3A_440 = arith.muli %max3A_415, %mul3A_439 : i32
    %add3A_441 = arith.constant 32 : i32
    %add3A_442 = arith.addi %mul3A_440, %add3A_441 : i32
    %get3A_443 = arith.index_cast %add3A_442 : i32 to index
    %get3A_444 = tpu.vector_load %arg13[%get3A_443] {strides = array<i32>} : memref<512xf32, #tpu.memory_space<vmem>>, vector<16xf32>,
    %get3A_445 = vector.shape_cast %get3A_444 : vector<16xf32> to vector<16xf32>
    %mul3A_446 = arith.mulf %get3A_445, %mul3A_438 : vector<16xf32>
    %max3A_447 = arith.maximumf %max3A_386, %mul3A_446 : vector<16xf32>
    %mul3A_448 = arith.constant 64 : i32
    %mul3A_449 = arith.muli %max3A_415, %mul3A_448 : i32
    %add3A_450 = arith.constant 48 : i32
    %add3A_451 = arith.addi %mul3A_449, %add3A_450 : i32
    %get3A_452 = arith.index_cast %add3A_451 : i32 to index
    %get3A_453 = tpu.vector_load %arg13[%get3A_452] {strides = array<i32>} : memref<512xf32, #tpu.memory_space<vmem>>, vector<16xf32>,
    %get3A_454 = vector.shape_cast %get3A_453 : vector<16xf32> to vector<16xf32>
    %mul3A_455 = arith.mulf %get3A_454, %mul3A_438 : vector<16xf32>
    %max3A_456 = arith.maximumf %max3A_395, %mul3A_455 : vector<16xf32>
    %eq3A_457 = arith.cmpi eq, %get3A_423, %get3A_430 : vector<16xi32>
    %jit3A_458 = arith.constant 1.000000e+00 : f32
    %jit3A_459 = arith.constant 0.000000e+00 : f32
    %broadcast_in_dim3A_460 = vector.broadcast %jit3A_458 : f32 to vector<16xf32>
    %broadcast_in_dim3A_461 = vector.broadcast %jit3A_459 : f32 to vector<16xf32>
    %select_n3A_462 = arith.select %eq3A_457, %broadcast_in_dim3A_460, %broadcast_in_dim3A_461 : vector<16xi1>, vector<16xf32>
    %mul3A_463 = arith.mulf %mul3A_438, %select_n3A_462 : vector<16xf32>
    %sub3A_464 = arith.constant 6 : i32
    %sub3A_465 = arith.subi %sub3A_124, %sub3A_464 : i32
    %broadcast_in_dim3A_466 = vector.broadcast %sub3A_465 : i32 to vector<16xi32>
    %ge3A_467 = arith.constant 0 : i32
    %ge3A_468 = vector.broadcast %ge3A_467 : i32 to vector<16xi32>
    %ge3A_469 = arith.cmpi sge, %broadcast_in_dim3A_466, %ge3A_468 : vector<16xi32>
    %jit3A_470 = arith.constant 1.000000e+00 : f32
    %jit3A_471 = arith.constant 0.000000e+00 : f32
    %broadcast_in_dim3A_472 = vector.broadcast %jit3A_470 : f32 to vector<16xf32>
    %broadcast_in_dim3A_473 = vector.broadcast %jit3A_471 : f32 to vector<16xf32>
    %select_n3A_474 = arith.select %ge3A_469, %broadcast_in_dim3A_472, %broadcast_in_dim3A_473 : vector<16xi1>, vector<16xf32>
    %max3A_475 = arith.constant 0 : i32
    %max3A_476 = arith.maxsi %sub3A_465, %max3A_475 : i32
    %mul3A_477 = arith.constant 8 : i32
    %mul3A_478 = arith.muli %mul3A_477, %select_n3A : i32
    %add3A_479 = arith.addi %mul3A_478, %max3A_476 : i32
    %mul3A_480 = arith.constant 32 : i32
    %mul3A_481 = arith.muli %add3A_479, %mul3A_480 : i32
    %get3A_482 = arith.index_cast %mul3A_481 : i32 to index
    %get3A_483 = tpu.vector_load %arg10[%get3A_482] {strides = array<i32>} : memref<1024xi32, #tpu.memory_space<vmem>>, vector<16xi32>,
    %get3A_484 = vector.shape_cast %get3A_483 : vector<16xi32> to vector<16xi32>
    %mul3A_485 = arith.constant 32 : i32
    %mul3A_486 = arith.muli %add3A_479, %mul3A_485 : i32
    %add3A_487 = arith.constant 16 : i32
    %add3A_488 = arith.addi %mul3A_486, %add3A_487 : i32
    %get3A_489 = arith.index_cast %add3A_488 : i32 to index
    %get3A_490 = tpu.vector_load %arg10[%get3A_489] {strides = array<i32>} : memref<1024xi32, #tpu.memory_space<vmem>>, vector<16xi32>,
    %get3A_491 = vector.shape_cast %get3A_490 : vector<16xi32> to vector<16xi32>
    %eq3A_492 = arith.cmpi eq, %get3A_491, %get3A_151 : vector<16xi32>
    %jit3A_493 = arith.constant 1.000000e+00 : f32
    %jit3A_494 = arith.constant 0.000000e+00 : f32
    %broadcast_in_dim3A_495 = vector.broadcast %jit3A_493 : f32 to vector<16xf32>
    %broadcast_in_dim3A_496 = vector.broadcast %jit3A_494 : f32 to vector<16xf32>
    %select_n3A_497 = arith.select %eq3A_492, %broadcast_in_dim3A_495, %broadcast_in_dim3A_496 : vector<16xi1>, vector<16xf32>
    %mul3A_498 = arith.mulf %mul3A_463, %select_n3A_497 : vector<16xf32>
    %mul3A_499 = arith.mulf %mul3A_498, %select_n3A_474 : vector<16xf32>
    %mul3A_500 = arith.constant 64 : i32
    %mul3A_501 = arith.muli %max3A_476, %mul3A_500 : i32
    %add3A_502 = arith.constant 32 : i32
    %add3A_503 = arith.addi %mul3A_501, %add3A_502 : i32
    %get3A_504 = arith.index_cast %add3A_503 : i32 to index
    %get3A_505 = tpu.vector_load %arg13[%get3A_504] {strides = array<i32>} : memref<512xf32, #tpu.memory_space<vmem>>, vector<16xf32>,
    %get3A_506 = vector.shape_cast %get3A_505 : vector<16xf32> to vector<16xf32>
    %mul3A_507 = arith.mulf %get3A_506, %mul3A_499 : vector<16xf32>
    %max3A_508 = arith.maximumf %max3A_447, %mul3A_507 : vector<16xf32>
    %mul3A_509 = arith.constant 64 : i32
    %mul3A_510 = arith.muli %max3A_476, %mul3A_509 : i32
    %add3A_511 = arith.constant 48 : i32
    %add3A_512 = arith.addi %mul3A_510, %add3A_511 : i32
    %get3A_513 = arith.index_cast %add3A_512 : i32 to index
    %get3A_514 = tpu.vector_load %arg13[%get3A_513] {strides = array<i32>} : memref<512xf32, #tpu.memory_space<vmem>>, vector<16xf32>,
    %get3A_515 = vector.shape_cast %get3A_514 : vector<16xf32> to vector<16xf32>
    %mul3A_516 = arith.mulf %get3A_515, %mul3A_499 : vector<16xf32>
    %max3A_517 = arith.maximumf %max3A_456, %mul3A_516 : vector<16xf32>
    %eq3A_518 = arith.cmpi eq, %get3A_484, %get3A_491 : vector<16xi32>
    %jit3A_519 = arith.constant 1.000000e+00 : f32
    %jit3A_520 = arith.constant 0.000000e+00 : f32
    %broadcast_in_dim3A_521 = vector.broadcast %jit3A_519 : f32 to vector<16xf32>
    %broadcast_in_dim3A_522 = vector.broadcast %jit3A_520 : f32 to vector<16xf32>
    %select_n3A_523 = arith.select %eq3A_518, %broadcast_in_dim3A_521, %broadcast_in_dim3A_522 : vector<16xi1>, vector<16xf32>
    %mul3A_524 = arith.mulf %mul3A_499, %select_n3A_523 : vector<16xf32>
    %sub3A_525 = arith.constant 7 : i32
    %sub3A_526 = arith.subi %sub3A_124, %sub3A_525 : i32
    %broadcast_in_dim3A_527 = vector.broadcast %sub3A_526 : i32 to vector<16xi32>
    %ge3A_528 = arith.constant 0 : i32
    %ge3A_529 = vector.broadcast %ge3A_528 : i32 to vector<16xi32>
    %ge3A_530 = arith.cmpi sge, %broadcast_in_dim3A_527, %ge3A_529 : vector<16xi32>
    %jit3A_531 = arith.constant 1.000000e+00 : f32
    %jit3A_532 = arith.constant 0.000000e+00 : f32
    %broadcast_in_dim3A_533 = vector.broadcast %jit3A_531 : f32 to vector<16xf32>
    %broadcast_in_dim3A_534 = vector.broadcast %jit3A_532 : f32 to vector<16xf32>
    %select_n3A_535 = arith.select %ge3A_530, %broadcast_in_dim3A_533, %broadcast_in_dim3A_534 : vector<16xi1>, vector<16xf32>
    %max3A_536 = arith.constant 0 : i32
    %max3A_537 = arith.maxsi %sub3A_526, %max3A_536 : i32
    %mul3A_538 = arith.constant 8 : i32
    %mul3A_539 = arith.muli %mul3A_538, %select_n3A : i32
    %add3A_540 = arith.addi %mul3A_539, %max3A_537 : i32
    %mul3A_541 = arith.constant 32 : i32
    %mul3A_542 = arith.muli %add3A_540, %mul3A_541 : i32
    %get3A_543 = arith.index_cast %mul3A_542 : i32 to index
    %get3A_544 = tpu.vector_load %arg10[%get3A_543] {strides = array<i32>} : memref<1024xi32, #tpu.memory_space<vmem>>, vector<16xi32>,
    %get3A_545 = vector.shape_cast %get3A_544 : vector<16xi32> to vector<16xi32>
    %mul3A_546 = arith.constant 32 : i32
    %mul3A_547 = arith.muli %add3A_540, %mul3A_546 : i32
    %add3A_548 = arith.constant 16 : i32
    %add3A_549 = arith.addi %mul3A_547, %add3A_548 : i32
    %get3A_550 = arith.index_cast %add3A_549 : i32 to index
    %get3A_551 = tpu.vector_load %arg10[%get3A_550] {strides = array<i32>} : memref<1024xi32, #tpu.memory_space<vmem>>, vector<16xi32>,
    %get3A_552 = vector.shape_cast %get3A_551 : vector<16xi32> to vector<16xi32>
    %eq3A_553 = arith.cmpi eq, %get3A_552, %get3A_151 : vector<16xi32>
    %jit3A_554 = arith.constant 1.000000e+00 : f32
    %jit3A_555 = arith.constant 0.000000e+00 : f32
    %broadcast_in_dim3A_556 = vector.broadcast %jit3A_554 : f32 to vector<16xf32>
    %broadcast_in_dim3A_557 = vector.broadcast %jit3A_555 : f32 to vector<16xf32>
    %select_n3A_558 = arith.select %eq3A_553, %broadcast_in_dim3A_556, %broadcast_in_dim3A_557 : vector<16xi1>, vector<16xf32>
    %mul3A_559 = arith.mulf %mul3A_524, %select_n3A_558 : vector<16xf32>
    %mul3A_560 = arith.mulf %mul3A_559, %select_n3A_535 : vector<16xf32>
    %mul3A_561 = arith.constant 64 : i32
    %mul3A_562 = arith.muli %max3A_537, %mul3A_561 : i32
    %add3A_563 = arith.constant 32 : i32
    %add3A_564 = arith.addi %mul3A_562, %add3A_563 : i32
    %get3A_565 = arith.index_cast %add3A_564 : i32 to index
    %get3A_566 = tpu.vector_load %arg13[%get3A_565] {strides = array<i32>} : memref<512xf32, #tpu.memory_space<vmem>>, vector<16xf32>,
    %get3A_567 = vector.shape_cast %get3A_566 : vector<16xf32> to vector<16xf32>
    %mul3A_568 = arith.mulf %get3A_567, %mul3A_560 : vector<16xf32>
    %max3A_569 = arith.maximumf %max3A_508, %mul3A_568 : vector<16xf32>
    %mul3A_570 = arith.constant 64 : i32
    %mul3A_571 = arith.muli %max3A_537, %mul3A_570 : i32
    %add3A_572 = arith.constant 48 : i32
    %add3A_573 = arith.addi %mul3A_571, %add3A_572 : i32
    %get3A_574 = arith.index_cast %add3A_573 : i32 to index
    %get3A_575 = tpu.vector_load %arg13[%get3A_574] {strides = array<i32>} : memref<512xf32, #tpu.memory_space<vmem>>, vector<16xf32>,
    %get3A_576 = vector.shape_cast %get3A_575 : vector<16xf32> to vector<16xf32>
    %mul3A_577 = arith.mulf %get3A_576, %mul3A_560 : vector<16xf32>
    %max3A_578 = arith.maximumf %max3A_517, %mul3A_577 : vector<16xf32>
    %eq3A_579 = arith.cmpi eq, %get3A_545, %get3A_552 : vector<16xi32>
    %jit3A_580 = arith.constant 1.000000e+00 : f32
    %jit3A_581 = arith.constant 0.000000e+00 : f32
    %broadcast_in_dim3A_582 = vector.broadcast %jit3A_580 : f32 to vector<16xf32>
    %broadcast_in_dim3A_583 = vector.broadcast %jit3A_581 : f32 to vector<16xf32>
    %select_n3A_584 = arith.select %eq3A_579, %broadcast_in_dim3A_582, %broadcast_in_dim3A_583 : vector<16xi1>, vector<16xf32>
    %mul3A_585 = arith.mulf %mul3A_560, %select_n3A_584 : vector<16xf32>
    %add3A_586 = arith.constant 1 : i32
    %add3A_587 = arith.addi %sub3A_124, %add3A_586 : i32
    %broadcast_in_dim3A_588 = vector.broadcast %add3A_587 : i32 to vector<16xi32>
    %le3A = arith.constant 7 : i32
    %le3A_589 = vector.broadcast %le3A : i32 to vector<16xi32>
    %le3A_590 = arith.cmpi sle, %broadcast_in_dim3A_588, %le3A_589 : vector<16xi32>
    %jit3A_591 = arith.constant 1.000000e+00 : f32
    %jit3A_592 = arith.constant 0.000000e+00 : f32
    %broadcast_in_dim3A_593 = vector.broadcast %jit3A_591 : f32 to vector<16xf32>
    %broadcast_in_dim3A_594 = vector.broadcast %jit3A_592 : f32 to vector<16xf32>
    %select_n3A_595 = arith.select %le3A_590, %broadcast_in_dim3A_593, %broadcast_in_dim3A_594 : vector<16xi1>, vector<16xf32>
    %min3A = arith.constant 7 : i32
    %min3A_596 = arith.minsi %add3A_587, %min3A : i32
    %mul3A_597 = arith.constant 8 : i32
    %mul3A_598 = arith.muli %mul3A_597, %select_n3A : i32
    %add3A_599 = arith.addi %mul3A_598, %min3A_596 : i32
    %mul3A_600 = arith.constant 32 : i32
    %mul3A_601 = arith.muli %add3A_599, %mul3A_600 : i32
    %get3A_602 = arith.index_cast %mul3A_601 : i32 to index
    %get3A_603 = tpu.vector_load %arg10[%get3A_602] {strides = array<i32>} : memref<1024xi32, #tpu.memory_space<vmem>>, vector<16xi32>,
    %get3A_604 = vector.shape_cast %get3A_603 : vector<16xi32> to vector<16xi32>
    %mul3A_605 = arith.constant 32 : i32
    %mul3A_606 = arith.muli %add3A_599, %mul3A_605 : i32
    %add3A_607 = arith.constant 16 : i32
    %add3A_608 = arith.addi %mul3A_606, %add3A_607 : i32
    %get3A_609 = arith.index_cast %add3A_608 : i32 to index
    %get3A_610 = tpu.vector_load %arg10[%get3A_609] {strides = array<i32>} : memref<1024xi32, #tpu.memory_space<vmem>>, vector<16xi32>,
    %get3A_611 = vector.shape_cast %get3A_610 : vector<16xi32> to vector<16xi32>
    %eq3A_612 = arith.cmpi eq, %get3A_604, %get3A_158 : vector<16xi32>
    %jit3A_613 = arith.constant 1.000000e+00 : f32
    %jit3A_614 = arith.constant 0.000000e+00 : f32
    %broadcast_in_dim3A_615 = vector.broadcast %jit3A_613 : f32 to vector<16xf32>
    %broadcast_in_dim3A_616 = vector.broadcast %jit3A_614 : f32 to vector<16xf32>
    %select_n3A_617 = arith.select %eq3A_612, %broadcast_in_dim3A_615, %broadcast_in_dim3A_616 : vector<16xi1>, vector<16xf32>
    %mul3A_618 = arith.mulf %broadcast_in_dim3A_160, %select_n3A_617 : vector<16xf32>
    %mul3A_619 = arith.mulf %mul3A_618, %select_n3A_595 : vector<16xf32>
    %mul3A_620 = arith.constant 64 : i32
    %mul3A_621 = arith.muli %min3A_596, %mul3A_620 : i32
    %get3A_622 = arith.index_cast %mul3A_621 : i32 to index
    %get3A_623 = tpu.vector_load %arg13[%get3A_622] {strides = array<i32>} : memref<512xf32, #tpu.memory_space<vmem>>, vector<16xf32>,
    %get3A_624 = vector.shape_cast %get3A_623 : vector<16xf32> to vector<16xf32>
    %mul3A_625 = arith.mulf %get3A_624, %mul3A_619 : vector<16xf32>
    %max3A_626 = arith.maximumf %get3A_141, %mul3A_625 : vector<16xf32>
    %mul3A_627 = arith.constant 64 : i32
    %mul3A_628 = arith.muli %min3A_596, %mul3A_627 : i32
    %add3A_629 = arith.constant 16 : i32
    %add3A_630 = arith.addi %mul3A_628, %add3A_629 : i32
    %get3A_631 = arith.index_cast %add3A_630 : i32 to index
    %get3A_632 = tpu.vector_load %arg13[%get3A_631] {strides = array<i32>} : memref<512xf32, #tpu.memory_space<vmem>>, vector<16xf32>,
    %get3A_633 = vector.shape_cast %get3A_632 : vector<16xf32> to vector<16xf32>
    %mul3A_634 = arith.mulf %get3A_633, %mul3A_619 : vector<16xf32>
    %max3A_635 = arith.maximumf %get3A_146, %mul3A_634 : vector<16xf32>
    %eq3A_636 = arith.cmpi eq, %get3A_604, %get3A_611 : vector<16xi32>
    %jit3A_637 = arith.constant 1.000000e+00 : f32
    %jit3A_638 = arith.constant 0.000000e+00 : f32
    %broadcast_in_dim3A_639 = vector.broadcast %jit3A_637 : f32 to vector<16xf32>
    %broadcast_in_dim3A_640 = vector.broadcast %jit3A_638 : f32 to vector<16xf32>
    %select_n3A_641 = arith.select %eq3A_636, %broadcast_in_dim3A_639, %broadcast_in_dim3A_640 : vector<16xi1>, vector<16xf32>
    %mul3A_642 = arith.mulf %mul3A_619, %select_n3A_641 : vector<16xf32>
    %add3A_643 = arith.constant 2 : i32
    %add3A_644 = arith.addi %sub3A_124, %add3A_643 : i32
    %broadcast_in_dim3A_645 = vector.broadcast %add3A_644 : i32 to vector<16xi32>
    %le3A_646 = arith.constant 7 : i32
    %le3A_647 = vector.broadcast %le3A_646 : i32 to vector<16xi32>
    %le3A_648 = arith.cmpi sle, %broadcast_in_dim3A_645, %le3A_647 : vector<16xi32>
    %jit3A_649 = arith.constant 1.000000e+00 : f32
    %jit3A_650 = arith.constant 0.000000e+00 : f32
    %broadcast_in_dim3A_651 = vector.broadcast %jit3A_649 : f32 to vector<16xf32>
    %broadcast_in_dim3A_652 = vector.broadcast %jit3A_650 : f32 to vector<16xf32>
    %select_n3A_653 = arith.select %le3A_648, %broadcast_in_dim3A_651, %broadcast_in_dim3A_652 : vector<16xi1>, vector<16xf32>
    %min3A_654 = arith.constant 7 : i32
    %min3A_655 = arith.minsi %add3A_644, %min3A_654 : i32
    %mul3A_656 = arith.constant 8 : i32
    %mul3A_657 = arith.muli %mul3A_656, %select_n3A : i32
    %add3A_658 = arith.addi %mul3A_657, %min3A_655 : i32
    %mul3A_659 = arith.constant 32 : i32
    %mul3A_660 = arith.muli %add3A_658, %mul3A_659 : i32
    %get3A_661 = arith.index_cast %mul3A_660 : i32 to index
    %get3A_662 = tpu.vector_load %arg10[%get3A_661] {strides = array<i32>} : memref<1024xi32, #tpu.memory_space<vmem>>, vector<16xi32>,
    %get3A_663 = vector.shape_cast %get3A_662 : vector<16xi32> to vector<16xi32>
    %mul3A_664 = arith.constant 32 : i32
    %mul3A_665 = arith.muli %add3A_658, %mul3A_664 : i32
    %add3A_666 = arith.constant 16 : i32
    %add3A_667 = arith.addi %mul3A_665, %add3A_666 : i32
    %get3A_668 = arith.index_cast %add3A_667 : i32 to index
    %get3A_669 = tpu.vector_load %arg10[%get3A_668] {strides = array<i32>} : memref<1024xi32, #tpu.memory_space<vmem>>, vector<16xi32>,
    %get3A_670 = vector.shape_cast %get3A_669 : vector<16xi32> to vector<16xi32>
    %eq3A_671 = arith.cmpi eq, %get3A_663, %get3A_158 : vector<16xi32>
    %jit3A_672 = arith.constant 1.000000e+00 : f32
    %jit3A_673 = arith.constant 0.000000e+00 : f32
    %broadcast_in_dim3A_674 = vector.broadcast %jit3A_672 : f32 to vector<16xf32>
    %broadcast_in_dim3A_675 = vector.broadcast %jit3A_673 : f32 to vector<16xf32>
    %select_n3A_676 = arith.select %eq3A_671, %broadcast_in_dim3A_674, %broadcast_in_dim3A_675 : vector<16xi1>, vector<16xf32>
    %mul3A_677 = arith.mulf %mul3A_642, %select_n3A_676 : vector<16xf32>
    %mul3A_678 = arith.mulf %mul3A_677, %select_n3A_653 : vector<16xf32>
    %mul3A_679 = arith.constant 64 : i32
    %mul3A_680 = arith.muli %min3A_655, %mul3A_679 : i32
    %get3A_681 = arith.index_cast %mul3A_680 : i32 to index
    %get3A_682 = tpu.vector_load %arg13[%get3A_681] {strides = array<i32>} : memref<512xf32, #tpu.memory_space<vmem>>, vector<16xf32>,
    %get3A_683 = vector.shape_cast %get3A_682 : vector<16xf32> to vector<16xf32>
    %mul3A_684 = arith.mulf %get3A_683, %mul3A_678 : vector<16xf32>
    %max3A_685 = arith.maximumf %max3A_626, %mul3A_684 : vector<16xf32>
    %mul3A_686 = arith.constant 64 : i32
    %mul3A_687 = arith.muli %min3A_655, %mul3A_686 : i32
    %add3A_688 = arith.constant 16 : i32
    %add3A_689 = arith.addi %mul3A_687, %add3A_688 : i32
    %get3A_690 = arith.index_cast %add3A_689 : i32 to index
    %get3A_691 = tpu.vector_load %arg13[%get3A_690] {strides = array<i32>} : memref<512xf32, #tpu.memory_space<vmem>>, vector<16xf32>,
    %get3A_692 = vector.shape_cast %get3A_691 : vector<16xf32> to vector<16xf32>
    %mul3A_693 = arith.mulf %get3A_692, %mul3A_678 : vector<16xf32>
    %max3A_694 = arith.maximumf %max3A_635, %mul3A_693 : vector<16xf32>
    %eq3A_695 = arith.cmpi eq, %get3A_663, %get3A_670 : vector<16xi32>
    %jit3A_696 = arith.constant 1.000000e+00 : f32
    %jit3A_697 = arith.constant 0.000000e+00 : f32
    %broadcast_in_dim3A_698 = vector.broadcast %jit3A_696 : f32 to vector<16xf32>
    %broadcast_in_dim3A_699 = vector.broadcast %jit3A_697 : f32 to vector<16xf32>
    %select_n3A_700 = arith.select %eq3A_695, %broadcast_in_dim3A_698, %broadcast_in_dim3A_699 : vector<16xi1>, vector<16xf32>
    %mul3A_701 = arith.mulf %mul3A_678, %select_n3A_700 : vector<16xf32>
    %add3A_702 = arith.constant 3 : i32
    %add3A_703 = arith.addi %sub3A_124, %add3A_702 : i32
    %broadcast_in_dim3A_704 = vector.broadcast %add3A_703 : i32 to vector<16xi32>
    %le3A_705 = arith.constant 7 : i32
    %le3A_706 = vector.broadcast %le3A_705 : i32 to vector<16xi32>
    %le3A_707 = arith.cmpi sle, %broadcast_in_dim3A_704, %le3A_706 : vector<16xi32>
    %jit3A_708 = arith.constant 1.000000e+00 : f32
    %jit3A_709 = arith.constant 0.000000e+00 : f32
    %broadcast_in_dim3A_710 = vector.broadcast %jit3A_708 : f32 to vector<16xf32>
    %broadcast_in_dim3A_711 = vector.broadcast %jit3A_709 : f32 to vector<16xf32>
    %select_n3A_712 = arith.select %le3A_707, %broadcast_in_dim3A_710, %broadcast_in_dim3A_711 : vector<16xi1>, vector<16xf32>
    %min3A_713 = arith.constant 7 : i32
    %min3A_714 = arith.minsi %add3A_703, %min3A_713 : i32
    %mul3A_715 = arith.constant 8 : i32
    %mul3A_716 = arith.muli %mul3A_715, %select_n3A : i32
    %add3A_717 = arith.addi %mul3A_716, %min3A_714 : i32
    %mul3A_718 = arith.constant 32 : i32
    %mul3A_719 = arith.muli %add3A_717, %mul3A_718 : i32
    %get3A_720 = arith.index_cast %mul3A_719 : i32 to index
    %get3A_721 = tpu.vector_load %arg10[%get3A_720] {strides = array<i32>} : memref<1024xi32, #tpu.memory_space<vmem>>, vector<16xi32>,
    %get3A_722 = vector.shape_cast %get3A_721 : vector<16xi32> to vector<16xi32>
    %mul3A_723 = arith.constant 32 : i32
    %mul3A_724 = arith.muli %add3A_717, %mul3A_723 : i32
    %add3A_725 = arith.constant 16 : i32
    %add3A_726 = arith.addi %mul3A_724, %add3A_725 : i32
    %get3A_727 = arith.index_cast %add3A_726 : i32 to index
    %get3A_728 = tpu.vector_load %arg10[%get3A_727] {strides = array<i32>} : memref<1024xi32, #tpu.memory_space<vmem>>, vector<16xi32>,
    %get3A_729 = vector.shape_cast %get3A_728 : vector<16xi32> to vector<16xi32>
    %eq3A_730 = arith.cmpi eq, %get3A_722, %get3A_158 : vector<16xi32>
    %jit3A_731 = arith.constant 1.000000e+00 : f32
    %jit3A_732 = arith.constant 0.000000e+00 : f32
    %broadcast_in_dim3A_733 = vector.broadcast %jit3A_731 : f32 to vector<16xf32>
    %broadcast_in_dim3A_734 = vector.broadcast %jit3A_732 : f32 to vector<16xf32>
    %select_n3A_735 = arith.select %eq3A_730, %broadcast_in_dim3A_733, %broadcast_in_dim3A_734 : vector<16xi1>, vector<16xf32>
    %mul3A_736 = arith.mulf %mul3A_701, %select_n3A_735 : vector<16xf32>
    %mul3A_737 = arith.mulf %mul3A_736, %select_n3A_712 : vector<16xf32>
    %mul3A_738 = arith.constant 64 : i32
    %mul3A_739 = arith.muli %min3A_714, %mul3A_738 : i32
    %get3A_740 = arith.index_cast %mul3A_739 : i32 to index
    %get3A_741 = tpu.vector_load %arg13[%get3A_740] {strides = array<i32>} : memref<512xf32, #tpu.memory_space<vmem>>, vector<16xf32>,
    %get3A_742 = vector.shape_cast %get3A_741 : vector<16xf32> to vector<16xf32>
    %mul3A_743 = arith.mulf %get3A_742, %mul3A_737 : vector<16xf32>
    %max3A_744 = arith.maximumf %max3A_685, %mul3A_743 : vector<16xf32>
    %mul3A_745 = arith.constant 64 : i32
    %mul3A_746 = arith.muli %min3A_714, %mul3A_745 : i32
    %add3A_747 = arith.constant 16 : i32
    %add3A_748 = arith.addi %mul3A_746, %add3A_747 : i32
    %get3A_749 = arith.index_cast %add3A_748 : i32 to index
    %get3A_750 = tpu.vector_load %arg13[%get3A_749] {strides = array<i32>} : memref<512xf32, #tpu.memory_space<vmem>>, vector<16xf32>,
    %get3A_751 = vector.shape_cast %get3A_750 : vector<16xf32> to vector<16xf32>
    %mul3A_752 = arith.mulf %get3A_751, %mul3A_737 : vector<16xf32>
    %max3A_753 = arith.maximumf %max3A_694, %mul3A_752 : vector<16xf32>
    %eq3A_754 = arith.cmpi eq, %get3A_722, %get3A_729 : vector<16xi32>
    %jit3A_755 = arith.constant 1.000000e+00 : f32
    %jit3A_756 = arith.constant 0.000000e+00 : f32
    %broadcast_in_dim3A_757 = vector.broadcast %jit3A_755 : f32 to vector<16xf32>
    %broadcast_in_dim3A_758 = vector.broadcast %jit3A_756 : f32 to vector<16xf32>
    %select_n3A_759 = arith.select %eq3A_754, %broadcast_in_dim3A_757, %broadcast_in_dim3A_758 : vector<16xi1>, vector<16xf32>
    %mul3A_760 = arith.mulf %mul3A_737, %select_n3A_759 : vector<16xf32>
    %add3A_761 = arith.constant 4 : i32
    %add3A_762 = arith.addi %sub3A_124, %add3A_761 : i32
    %broadcast_in_dim3A_763 = vector.broadcast %add3A_762 : i32 to vector<16xi32>
    %le3A_764 = arith.constant 7 : i32
    %le3A_765 = vector.broadcast %le3A_764 : i32 to vector<16xi32>
    %le3A_766 = arith.cmpi sle, %broadcast_in_dim3A_763, %le3A_765 : vector<16xi32>
    %jit3A_767 = arith.constant 1.000000e+00 : f32
    %jit3A_768 = arith.constant 0.000000e+00 : f32
    %broadcast_in_dim3A_769 = vector.broadcast %jit3A_767 : f32 to vector<16xf32>
    %broadcast_in_dim3A_770 = vector.broadcast %jit3A_768 : f32 to vector<16xf32>
    %select_n3A_771 = arith.select %le3A_766, %broadcast_in_dim3A_769, %broadcast_in_dim3A_770 : vector<16xi1>, vector<16xf32>
    %min3A_772 = arith.constant 7 : i32
    %min3A_773 = arith.minsi %add3A_762, %min3A_772 : i32
    %mul3A_774 = arith.constant 8 : i32
    %mul3A_775 = arith.muli %mul3A_774, %select_n3A : i32
    %add3A_776 = arith.addi %mul3A_775, %min3A_773 : i32
    %mul3A_777 = arith.constant 32 : i32
    %mul3A_778 = arith.muli %add3A_776, %mul3A_777 : i32
    %get3A_779 = arith.index_cast %mul3A_778 : i32 to index
    %get3A_780 = tpu.vector_load %arg10[%get3A_779] {strides = array<i32>} : memref<1024xi32, #tpu.memory_space<vmem>>, vector<16xi32>,
    %get3A_781 = vector.shape_cast %get3A_780 : vector<16xi32> to vector<16xi32>
    %mul3A_782 = arith.constant 32 : i32
    %mul3A_783 = arith.muli %add3A_776, %mul3A_782 : i32
    %add3A_784 = arith.constant 16 : i32
    %add3A_785 = arith.addi %mul3A_783, %add3A_784 : i32
    %get3A_786 = arith.index_cast %add3A_785 : i32 to index
    %get3A_787 = tpu.vector_load %arg10[%get3A_786] {strides = array<i32>} : memref<1024xi32, #tpu.memory_space<vmem>>, vector<16xi32>,
    %get3A_788 = vector.shape_cast %get3A_787 : vector<16xi32> to vector<16xi32>
    %eq3A_789 = arith.cmpi eq, %get3A_781, %get3A_158 : vector<16xi32>
    %jit3A_790 = arith.constant 1.000000e+00 : f32
    %jit3A_791 = arith.constant 0.000000e+00 : f32
    %broadcast_in_dim3A_792 = vector.broadcast %jit3A_790 : f32 to vector<16xf32>
    %broadcast_in_dim3A_793 = vector.broadcast %jit3A_791 : f32 to vector<16xf32>
    %select_n3A_794 = arith.select %eq3A_789, %broadcast_in_dim3A_792, %broadcast_in_dim3A_793 : vector<16xi1>, vector<16xf32>
    %mul3A_795 = arith.mulf %mul3A_760, %select_n3A_794 : vector<16xf32>
    %mul3A_796 = arith.mulf %mul3A_795, %select_n3A_771 : vector<16xf32>
    %mul3A_797 = arith.constant 64 : i32
    %mul3A_798 = arith.muli %min3A_773, %mul3A_797 : i32
    %get3A_799 = arith.index_cast %mul3A_798 : i32 to index
    %get3A_800 = tpu.vector_load %arg13[%get3A_799] {strides = array<i32>} : memref<512xf32, #tpu.memory_space<vmem>>, vector<16xf32>,
    %get3A_801 = vector.shape_cast %get3A_800 : vector<16xf32> to vector<16xf32>
    %mul3A_802 = arith.mulf %get3A_801, %mul3A_796 : vector<16xf32>
    %max3A_803 = arith.maximumf %max3A_744, %mul3A_802 : vector<16xf32>
    %mul3A_804 = arith.constant 64 : i32
    %mul3A_805 = arith.muli %min3A_773, %mul3A_804 : i32
    %add3A_806 = arith.constant 16 : i32
    %add3A_807 = arith.addi %mul3A_805, %add3A_806 : i32
    %get3A_808 = arith.index_cast %add3A_807 : i32 to index
    %get3A_809 = tpu.vector_load %arg13[%get3A_808] {strides = array<i32>} : memref<512xf32, #tpu.memory_space<vmem>>, vector<16xf32>,
    %get3A_810 = vector.shape_cast %get3A_809 : vector<16xf32> to vector<16xf32>
    %mul3A_811 = arith.mulf %get3A_810, %mul3A_796 : vector<16xf32>
    %max3A_812 = arith.maximumf %max3A_753, %mul3A_811 : vector<16xf32>
    %eq3A_813 = arith.cmpi eq, %get3A_781, %get3A_788 : vector<16xi32>
    %jit3A_814 = arith.constant 1.000000e+00 : f32
    %jit3A_815 = arith.constant 0.000000e+00 : f32
    %broadcast_in_dim3A_816 = vector.broadcast %jit3A_814 : f32 to vector<16xf32>
    %broadcast_in_dim3A_817 = vector.broadcast %jit3A_815 : f32 to vector<16xf32>
    %select_n3A_818 = arith.select %eq3A_813, %broadcast_in_dim3A_816, %broadcast_in_dim3A_817 : vector<16xi1>, vector<16xf32>
    %mul3A_819 = arith.mulf %mul3A_796, %select_n3A_818 : vector<16xf32>
    %add3A_820 = arith.constant 5 : i32
    %add3A_821 = arith.addi %sub3A_124, %add3A_820 : i32
    %broadcast_in_dim3A_822 = vector.broadcast %add3A_821 : i32 to vector<16xi32>
    %le3A_823 = arith.constant 7 : i32
    %le3A_824 = vector.broadcast %le3A_823 : i32 to vector<16xi32>
    %le3A_825 = arith.cmpi sle, %broadcast_in_dim3A_822, %le3A_824 : vector<16xi32>
    %jit3A_826 = arith.constant 1.000000e+00 : f32
    %jit3A_827 = arith.constant 0.000000e+00 : f32
    %broadcast_in_dim3A_828 = vector.broadcast %jit3A_826 : f32 to vector<16xf32>
    %broadcast_in_dim3A_829 = vector.broadcast %jit3A_827 : f32 to vector<16xf32>
    %select_n3A_830 = arith.select %le3A_825, %broadcast_in_dim3A_828, %broadcast_in_dim3A_829 : vector<16xi1>, vector<16xf32>
    %min3A_831 = arith.constant 7 : i32
    %min3A_832 = arith.minsi %add3A_821, %min3A_831 : i32
    %mul3A_833 = arith.constant 8 : i32
    %mul3A_834 = arith.muli %mul3A_833, %select_n3A : i32
    %add3A_835 = arith.addi %mul3A_834, %min3A_832 : i32
    %mul3A_836 = arith.constant 32 : i32
    %mul3A_837 = arith.muli %add3A_835, %mul3A_836 : i32
    %get3A_838 = arith.index_cast %mul3A_837 : i32 to index
    %get3A_839 = tpu.vector_load %arg10[%get3A_838] {strides = array<i32>} : memref<1024xi32, #tpu.memory_space<vmem>>, vector<16xi32>,
    %get3A_840 = vector.shape_cast %get3A_839 : vector<16xi32> to vector<16xi32>
    %mul3A_841 = arith.constant 32 : i32
    %mul3A_842 = arith.muli %add3A_835, %mul3A_841 : i32
    %add3A_843 = arith.constant 16 : i32
    %add3A_844 = arith.addi %mul3A_842, %add3A_843 : i32
    %get3A_845 = arith.index_cast %add3A_844 : i32 to index
    %get3A_846 = tpu.vector_load %arg10[%get3A_845] {strides = array<i32>} : memref<1024xi32, #tpu.memory_space<vmem>>, vector<16xi32>,
    %get3A_847 = vector.shape_cast %get3A_846 : vector<16xi32> to vector<16xi32>
    %eq3A_848 = arith.cmpi eq, %get3A_840, %get3A_158 : vector<16xi32>
    %jit3A_849 = arith.constant 1.000000e+00 : f32
    %jit3A_850 = arith.constant 0.000000e+00 : f32
    %broadcast_in_dim3A_851 = vector.broadcast %jit3A_849 : f32 to vector<16xf32>
    %broadcast_in_dim3A_852 = vector.broadcast %jit3A_850 : f32 to vector<16xf32>
    %select_n3A_853 = arith.select %eq3A_848, %broadcast_in_dim3A_851, %broadcast_in_dim3A_852 : vector<16xi1>, vector<16xf32>
    %mul3A_854 = arith.mulf %mul3A_819, %select_n3A_853 : vector<16xf32>
    %mul3A_855 = arith.mulf %mul3A_854, %select_n3A_830 : vector<16xf32>
    %mul3A_856 = arith.constant 64 : i32
    %mul3A_857 = arith.muli %min3A_832, %mul3A_856 : i32
    %get3A_858 = arith.index_cast %mul3A_857 : i32 to index
    %get3A_859 = tpu.vector_load %arg13[%get3A_858] {strides = array<i32>} : memref<512xf32, #tpu.memory_space<vmem>>, vector<16xf32>,
    %get3A_860 = vector.shape_cast %get3A_859 : vector<16xf32> to vector<16xf32>
    %mul3A_861 = arith.mulf %get3A_860, %mul3A_855 : vector<16xf32>
    %max3A_862 = arith.maximumf %max3A_803, %mul3A_861 : vector<16xf32>
    %mul3A_863 = arith.constant 64 : i32
    %mul3A_864 = arith.muli %min3A_832, %mul3A_863 : i32
    %add3A_865 = arith.constant 16 : i32
    %add3A_866 = arith.addi %mul3A_864, %add3A_865 : i32
    %get3A_867 = arith.index_cast %add3A_866 : i32 to index
    %get3A_868 = tpu.vector_load %arg13[%get3A_867] {strides = array<i32>} : memref<512xf32, #tpu.memory_space<vmem>>, vector<16xf32>,
    %get3A_869 = vector.shape_cast %get3A_868 : vector<16xf32> to vector<16xf32>
    %mul3A_870 = arith.mulf %get3A_869, %mul3A_855 : vector<16xf32>
    %max3A_871 = arith.maximumf %max3A_812, %mul3A_870 : vector<16xf32>
    %eq3A_872 = arith.cmpi eq, %get3A_840, %get3A_847 : vector<16xi32>
    %jit3A_873 = arith.constant 1.000000e+00 : f32
    %jit3A_874 = arith.constant 0.000000e+00 : f32
    %broadcast_in_dim3A_875 = vector.broadcast %jit3A_873 : f32 to vector<16xf32>
    %broadcast_in_dim3A_876 = vector.broadcast %jit3A_874 : f32 to vector<16xf32>
    %select_n3A_877 = arith.select %eq3A_872, %broadcast_in_dim3A_875, %broadcast_in_dim3A_876 : vector<16xi1>, vector<16xf32>
    %mul3A_878 = arith.mulf %mul3A_855, %select_n3A_877 : vector<16xf32>
    %add3A_879 = arith.constant 6 : i32
    %add3A_880 = arith.addi %sub3A_124, %add3A_879 : i32
    %broadcast_in_dim3A_881 = vector.broadcast %add3A_880 : i32 to vector<16xi32>
    %le3A_882 = arith.constant 7 : i32
    %le3A_883 = vector.broadcast %le3A_882 : i32 to vector<16xi32>
    %le3A_884 = arith.cmpi sle, %broadcast_in_dim3A_881, %le3A_883 : vector<16xi32>
    %jit3A_885 = arith.constant 1.000000e+00 : f32
    %jit3A_886 = arith.constant 0.000000e+00 : f32
    %broadcast_in_dim3A_887 = vector.broadcast %jit3A_885 : f32 to vector<16xf32>
    %broadcast_in_dim3A_888 = vector.broadcast %jit3A_886 : f32 to vector<16xf32>
    %select_n3A_889 = arith.select %le3A_884, %broadcast_in_dim3A_887, %broadcast_in_dim3A_888 : vector<16xi1>, vector<16xf32>
    %min3A_890 = arith.constant 7 : i32
    %min3A_891 = arith.minsi %add3A_880, %min3A_890 : i32
    %mul3A_892 = arith.constant 8 : i32
    %mul3A_893 = arith.muli %mul3A_892, %select_n3A : i32
    %add3A_894 = arith.addi %mul3A_893, %min3A_891 : i32
    %mul3A_895 = arith.constant 32 : i32
    %mul3A_896 = arith.muli %add3A_894, %mul3A_895 : i32
    %get3A_897 = arith.index_cast %mul3A_896 : i32 to index
    %get3A_898 = tpu.vector_load %arg10[%get3A_897] {strides = array<i32>} : memref<1024xi32, #tpu.memory_space<vmem>>, vector<16xi32>,
    %get3A_899 = vector.shape_cast %get3A_898 : vector<16xi32> to vector<16xi32>
    %mul3A_900 = arith.constant 32 : i32
    %mul3A_901 = arith.muli %add3A_894, %mul3A_900 : i32
    %add3A_902 = arith.constant 16 : i32
    %add3A_903 = arith.addi %mul3A_901, %add3A_902 : i32
    %get3A_904 = arith.index_cast %add3A_903 : i32 to index
    %get3A_905 = tpu.vector_load %arg10[%get3A_904] {strides = array<i32>} : memref<1024xi32, #tpu.memory_space<vmem>>, vector<16xi32>,
    %get3A_906 = vector.shape_cast %get3A_905 : vector<16xi32> to vector<16xi32>
    %eq3A_907 = arith.cmpi eq, %get3A_899, %get3A_158 : vector<16xi32>
    %jit3A_908 = arith.constant 1.000000e+00 : f32
    %jit3A_909 = arith.constant 0.000000e+00 : f32
    %broadcast_in_dim3A_910 = vector.broadcast %jit3A_908 : f32 to vector<16xf32>
    %broadcast_in_dim3A_911 = vector.broadcast %jit3A_909 : f32 to vector<16xf32>
    %select_n3A_912 = arith.select %eq3A_907, %broadcast_in_dim3A_910, %broadcast_in_dim3A_911 : vector<16xi1>, vector<16xf32>
    %mul3A_913 = arith.mulf %mul3A_878, %select_n3A_912 : vector<16xf32>
    %mul3A_914 = arith.mulf %mul3A_913, %select_n3A_889 : vector<16xf32>
    %mul3A_915 = arith.constant 64 : i32
    %mul3A_916 = arith.muli %min3A_891, %mul3A_915 : i32
    %get3A_917 = arith.index_cast %mul3A_916 : i32 to index
    %get3A_918 = tpu.vector_load %arg13[%get3A_917] {strides = array<i32>} : memref<512xf32, #tpu.memory_space<vmem>>, vector<16xf32>,
    %get3A_919 = vector.shape_cast %get3A_918 : vector<16xf32> to vector<16xf32>
    %mul3A_920 = arith.mulf %get3A_919, %mul3A_914 : vector<16xf32>
    %max3A_921 = arith.maximumf %max3A_862, %mul3A_920 : vector<16xf32>
    %mul3A_922 = arith.constant 64 : i32
    %mul3A_923 = arith.muli %min3A_891, %mul3A_922 : i32
    %add3A_924 = arith.constant 16 : i32
    %add3A_925 = arith.addi %mul3A_923, %add3A_924 : i32
    %get3A_926 = arith.index_cast %add3A_925 : i32 to index
    %get3A_927 = tpu.vector_load %arg13[%get3A_926] {strides = array<i32>} : memref<512xf32, #tpu.memory_space<vmem>>, vector<16xf32>,
    %get3A_928 = vector.shape_cast %get3A_927 : vector<16xf32> to vector<16xf32>
    %mul3A_929 = arith.mulf %get3A_928, %mul3A_914 : vector<16xf32>
    %max3A_930 = arith.maximumf %max3A_871, %mul3A_929 : vector<16xf32>
    %eq3A_931 = arith.cmpi eq, %get3A_899, %get3A_906 : vector<16xi32>
    %jit3A_932 = arith.constant 1.000000e+00 : f32
    %jit3A_933 = arith.constant 0.000000e+00 : f32
    %broadcast_in_dim3A_934 = vector.broadcast %jit3A_932 : f32 to vector<16xf32>
    %broadcast_in_dim3A_935 = vector.broadcast %jit3A_933 : f32 to vector<16xf32>
    %select_n3A_936 = arith.select %eq3A_931, %broadcast_in_dim3A_934, %broadcast_in_dim3A_935 : vector<16xi1>, vector<16xf32>
    %mul3A_937 = arith.mulf %mul3A_914, %select_n3A_936 : vector<16xf32>
    %add3A_938 = arith.constant 7 : i32
    %add3A_939 = arith.addi %sub3A_124, %add3A_938 : i32
    %broadcast_in_dim3A_940 = vector.broadcast %add3A_939 : i32 to vector<16xi32>
    %le3A_941 = arith.constant 7 : i32
    %le3A_942 = vector.broadcast %le3A_941 : i32 to vector<16xi32>
    %le3A_943 = arith.cmpi sle, %broadcast_in_dim3A_940, %le3A_942 : vector<16xi32>
    %jit3A_944 = arith.constant 1.000000e+00 : f32
    %jit3A_945 = arith.constant 0.000000e+00 : f32
    %broadcast_in_dim3A_946 = vector.broadcast %jit3A_944 : f32 to vector<16xf32>
    %broadcast_in_dim3A_947 = vector.broadcast %jit3A_945 : f32 to vector<16xf32>
    %select_n3A_948 = arith.select %le3A_943, %broadcast_in_dim3A_946, %broadcast_in_dim3A_947 : vector<16xi1>, vector<16xf32>
    %min3A_949 = arith.constant 7 : i32
    %min3A_950 = arith.minsi %add3A_939, %min3A_949 : i32
    %mul3A_951 = arith.constant 8 : i32
    %mul3A_952 = arith.muli %mul3A_951, %select_n3A : i32
    %add3A_953 = arith.addi %mul3A_952, %min3A_950 : i32
    %mul3A_954 = arith.constant 32 : i32
    %mul3A_955 = arith.muli %add3A_953, %mul3A_954 : i32
    %get3A_956 = arith.index_cast %mul3A_955 : i32 to index
    %get3A_957 = tpu.vector_load %arg10[%get3A_956] {strides = array<i32>} : memref<1024xi32, #tpu.memory_space<vmem>>, vector<16xi32>,
    %get3A_958 = vector.shape_cast %get3A_957 : vector<16xi32> to vector<16xi32>
    %mul3A_959 = arith.constant 32 : i32
    %mul3A_960 = arith.muli %add3A_953, %mul3A_959 : i32
    %add3A_961 = arith.constant 16 : i32
    %add3A_962 = arith.addi %mul3A_960, %add3A_961 : i32
    %get3A_963 = arith.index_cast %add3A_962 : i32 to index
    %get3A_964 = tpu.vector_load %arg10[%get3A_963] {strides = array<i32>} : memref<1024xi32, #tpu.memory_space<vmem>>, vector<16xi32>,
    %get3A_965 = vector.shape_cast %get3A_964 : vector<16xi32> to vector<16xi32>
    %eq3A_966 = arith.cmpi eq, %get3A_958, %get3A_158 : vector<16xi32>
    %jit3A_967 = arith.constant 1.000000e+00 : f32
    %jit3A_968 = arith.constant 0.000000e+00 : f32
    %broadcast_in_dim3A_969 = vector.broadcast %jit3A_967 : f32 to vector<16xf32>
    %broadcast_in_dim3A_970 = vector.broadcast %jit3A_968 : f32 to vector<16xf32>
    %select_n3A_971 = arith.select %eq3A_966, %broadcast_in_dim3A_969, %broadcast_in_dim3A_970 : vector<16xi1>, vector<16xf32>
    %mul3A_972 = arith.mulf %mul3A_937, %select_n3A_971 : vector<16xf32>
    %mul3A_973 = arith.mulf %mul3A_972, %select_n3A_948 : vector<16xf32>
    %mul3A_974 = arith.constant 64 : i32
    %mul3A_975 = arith.muli %min3A_950, %mul3A_974 : i32
    %get3A_976 = arith.index_cast %mul3A_975 : i32 to index
    %get3A_977 = tpu.vector_load %arg13[%get3A_976] {strides = array<i32>} : memref<512xf32, #tpu.memory_space<vmem>>, vector<16xf32>,
    %get3A_978 = vector.shape_cast %get3A_977 : vector<16xf32> to vector<16xf32>
    %mul3A_979 = arith.mulf %get3A_978, %mul3A_973 : vector<16xf32>
    %max3A_980 = arith.maximumf %max3A_921, %mul3A_979 : vector<16xf32>
    %mul3A_981 = arith.constant 64 : i32
    %mul3A_982 = arith.muli %min3A_950, %mul3A_981 : i32
    %add3A_983 = arith.constant 16 : i32
    %add3A_984 = arith.addi %mul3A_982, %add3A_983 : i32
    %get3A_985 = arith.index_cast %add3A_984 : i32 to index
    %get3A_986 = tpu.vector_load %arg13[%get3A_985] {strides = array<i32>} : memref<512xf32, #tpu.memory_space<vmem>>, vector<16xf32>,
    %get3A_987 = vector.shape_cast %get3A_986 : vector<16xf32> to vector<16xf32>
    %mul3A_988 = arith.mulf %get3A_987, %mul3A_973 : vector<16xf32>
    %max3A_989 = arith.maximumf %max3A_930, %mul3A_988 : vector<16xf32>
    %eq3A_990 = arith.cmpi eq, %get3A_958, %get3A_965 : vector<16xi32>
    %jit3A_991 = arith.constant 1.000000e+00 : f32
    %jit3A_992 = arith.constant 0.000000e+00 : f32
    %broadcast_in_dim3A_993 = vector.broadcast %jit3A_991 : f32 to vector<16xf32>
    %broadcast_in_dim3A_994 = vector.broadcast %jit3A_992 : f32 to vector<16xf32>
    %select_n3A_995 = arith.select %eq3A_990, %broadcast_in_dim3A_993, %broadcast_in_dim3A_994 : vector<16xi1>, vector<16xf32>
    %mul3A_996 = arith.mulf %mul3A_973, %select_n3A_995 : vector<16xf32>
    %get3A_997 = arith.constant 23984 : index
    %get3A_998 = tpu.vector_load %arg9[%get3A_997] {strides = array<i32>} : memref<24000xf32, #tpu.memory_space<vmem>>, vector<16xf32>,
    %get3A_999 = vector.shape_cast %get3A_998 : vector<16xf32> to vector<16xf32>
    %mul3A_1000 = arith.mulf %max3A_569, %get3A_999 : vector<16xf32>
    %max3A_1001 = arith.maximumf %max3A_980, %mul3A_1000 : vector<16xf32>
    %mul3A_1002 = arith.mulf %max3A_578, %get3A_999 : vector<16xf32>
    %max3A_1003 = arith.maximumf %max3A_989, %mul3A_1002 : vector<16xf32>
    %swap3A_1004 = arith.constant 47968 : index
    %swap3A_1005 = tpu.vector_load %arg7[%swap3A_1004] {strides = array<i32>} : memref<48000xf32, #tpu.memory_space<vmem>>, vector<16xf32>,
    %swap3A_1006 = vector.shape_cast %swap3A_1005 : vector<16xf32> to vector<16xf32>
    %swap3A_1007 = vector.shape_cast %max3A_1001 : vector<16xf32> to vector<16xf32>
    tpu.vector_store %arg7[%swap3A_1004], %swap3A_1007 {strides = array<i32>} : memref<48000xf32, #tpu.memory_space<vmem>>, vector<16xf32>,
    %swap3A_1008 = arith.constant 47984 : index
    %swap3A_1009 = tpu.vector_load %arg7[%swap3A_1008] {strides = array<i32>} : memref<48000xf32, #tpu.memory_space<vmem>>, vector<16xf32>,
    %swap3A_1010 = vector.shape_cast %swap3A_1009 : vector<16xf32> to vector<16xf32>
    %swap3A_1011 = vector.shape_cast %max3A_1003 : vector<16xf32> to vector<16xf32>
    tpu.vector_store %arg7[%swap3A_1008], %swap3A_1011 {strides = array<i32>} : memref<48000xf32, #tpu.memory_space<vmem>>, vector<16xf32>,
    %scan3A_1012 = arith.constant 0 : i32
    %scan3A_1013 = arith.constant 749 : i32
    %scan3A_1014 = arith.addi %scan3A_1012, %scan3A_1013 : i32
    %scan3A_1015 = arith.constant 1 : i32
    %scan3A_1016:2 = scf.for %scan3A_1046 = %scan3A_1012 to %scan3A_1014 step %scan3A_1015 iter_args(%scan3A_1047 = %max3A_1001, %scan3A_1048 = %max3A_1003) -> (vector<16xf32>, vector<16xf32>)  : i32 {
      %mul3A_1049 = arith.constant 2 : i32
      %mul3A_1050 = arith.muli %mul3A_1049, %scan3A_1046 : i32
      %sub3A_1051 = arith.constant 1498 : i32
      %sub3A_1052 = arith.subi %sub3A_1051, %mul3A_1050 : i32
      %sub3A_1053 = arith.constant 1 : i32
      %sub3A_1054 = arith.subi %sub3A_1052, %sub3A_1053 : i32
      %add3A_1055 = arith.constant 1 : i32
      %add3A_1056 = arith.addi %sub3A_1052, %add3A_1055 : i32
      %mul3A_1057 = arith.constant 16 : i32
      %mul3A_1058 = arith.muli %add3A_1056, %mul3A_1057 : i32
      %get3A_1059 = arith.index_cast %mul3A_1058 : i32 to index
      %get3A_1060 = tpu.vector_load %arg8[%get3A_1059] {strides = array<i32>} : memref<24064xf32, #tpu.memory_space<vmem>>, vector<16xf32>,
      %get3A_1061 = vector.shape_cast %get3A_1060 : vector<16xf32> to vector<16xf32>
      %mul3A_1062 = arith.constant 16 : i32
      %mul3A_1063 = arith.muli %sub3A_1052, %mul3A_1062 : i32
      %get3A_1064 = arith.index_cast %mul3A_1063 : i32 to index
      %get3A_1065 = tpu.vector_load %arg9[%get3A_1064] {strides = array<i32>} : memref<24000xf32, #tpu.memory_space<vmem>>, vector<16xf32>,
      %get3A_1066 = vector.shape_cast %get3A_1065 : vector<16xf32> to vector<16xf32>
      %mul3A_1067 = arith.constant 32 : i32
      %mul3A_1068 = arith.muli %sub3A_1052, %mul3A_1067 : i32
      %get3A_1069 = arith.index_cast %mul3A_1068 : i32 to index
      %get3A_1070 = tpu.vector_load %arg7[%get3A_1069] {strides = array<i32>} : memref<48000xf32, #tpu.memory_space<vmem>>, vector<16xf32>,
      %get3A_1071 = vector.shape_cast %get3A_1070 : vector<16xf32> to vector<16xf32>
      %mul3A_1072 = arith.mulf %scan3A_1047, %get3A_1061 : vector<16xf32>
      %max3A_1073 = arith.maximumf %get3A_1071, %mul3A_1072 : vector<16xf32>
      %mul3A_1074 = arith.mulf %max3A_569, %get3A_1066 : vector<16xf32>
      %max3A_1075 = arith.maximumf %max3A_1073, %mul3A_1074 : vector<16xf32>
      %add3A_1076 = arith.constant 16 : i32
      %add3A_1077 = arith.addi %mul3A_1068, %add3A_1076 : i32
      %get3A_1078 = arith.index_cast %add3A_1077 : i32 to index
      %get3A_1079 = tpu.vector_load %arg7[%get3A_1078] {strides = array<i32>} : memref<48000xf32, #tpu.memory_space<vmem>>, vector<16xf32>,
      %get3A_1080 = vector.shape_cast %get3A_1079 : vector<16xf32> to vector<16xf32>
      %mul3A_1081 = arith.mulf %scan3A_1048, %get3A_1061 : vector<16xf32>
      %max3A_1082 = arith.maximumf %get3A_1080, %mul3A_1081 : vector<16xf32>
      %mul3A_1083 = arith.mulf %max3A_578, %get3A_1066 : vector<16xf32>
      %max3A_1084 = arith.maximumf %max3A_1082, %mul3A_1083 : vector<16xf32>
      %swap3A_1085 = arith.index_cast %mul3A_1068 : i32 to index
      %swap3A_1086 = tpu.vector_load %arg7[%swap3A_1085] {strides = array<i32>} : memref<48000xf32, #tpu.memory_space<vmem>>, vector<16xf32>,
      %swap3A_1087 = vector.shape_cast %swap3A_1086 : vector<16xf32> to vector<16xf32>
      %swap3A_1088 = vector.shape_cast %max3A_1075 : vector<16xf32> to vector<16xf32>
      tpu.vector_store %arg7[%swap3A_1085], %swap3A_1088 {strides = array<i32>} : memref<48000xf32, #tpu.memory_space<vmem>>, vector<16xf32>,
      %add3A_1089 = arith.constant 16 : i32
      %add3A_1090 = arith.addi %mul3A_1068, %add3A_1089 : i32
      %swap3A_1091 = arith.index_cast %add3A_1090 : i32 to index
      %swap3A_1092 = tpu.vector_load %arg7[%swap3A_1091] {strides = array<i32>} : memref<48000xf32, #tpu.memory_space<vmem>>, vector<16xf32>,
      %swap3A_1093 = vector.shape_cast %swap3A_1092 : vector<16xf32> to vector<16xf32>
      %swap3A_1094 = vector.shape_cast %max3A_1084 : vector<16xf32> to vector<16xf32>
      tpu.vector_store %arg7[%swap3A_1091], %swap3A_1094 {strides = array<i32>} : memref<48000xf32, #tpu.memory_space<vmem>>, vector<16xf32>,
      %add3A_1095 = arith.constant 1 : i32
      %add3A_1096 = arith.addi %sub3A_1054, %add3A_1095 : i32
      %mul3A_1097 = arith.constant 16 : i32
      %mul3A_1098 = arith.muli %add3A_1096, %mul3A_1097 : i32
      %get3A_1099 = arith.index_cast %mul3A_1098 : i32 to index
      %get3A_1100 = tpu.vector_load %arg8[%get3A_1099] {strides = array<i32>} : memref<24064xf32, #tpu.memory_space<vmem>>, vector<16xf32>,
      %get3A_1101 = vector.shape_cast %get3A_1100 : vector<16xf32> to vector<16xf32>
      %mul3A_1102 = arith.constant 16 : i32
      %mul3A_1103 = arith.muli %sub3A_1054, %mul3A_1102 : i32
      %get3A_1104 = arith.index_cast %mul3A_1103 : i32 to index
      %get3A_1105 = tpu.vector_load %arg9[%get3A_1104] {strides = array<i32>} : memref<24000xf32, #tpu.memory_space<vmem>>, vector<16xf32>,
      %get3A_1106 = vector.shape_cast %get3A_1105 : vector<16xf32> to vector<16xf32>
      %mul3A_1107 = arith.constant 32 : i32
      %mul3A_1108 = arith.muli %sub3A_1054, %mul3A_1107 : i32
      %get3A_1109 = arith.index_cast %mul3A_1108 : i32 to index
      %get3A_1110 = tpu.vector_load %arg7[%get3A_1109] {strides = array<i32>} : memref<48000xf32, #tpu.memory_space<vmem>>, vector<16xf32>,
      %get3A_1111 = vector.shape_cast %get3A_1110 : vector<16xf32> to vector<16xf32>
      %mul3A_1112 = arith.mulf %max3A_1075, %get3A_1101 : vector<16xf32>
      %max3A_1113 = arith.maximumf %get3A_1111, %mul3A_1112 : vector<16xf32>
      %mul3A_1114 = arith.mulf %max3A_569, %get3A_1106 : vector<16xf32>
      %max3A_1115 = arith.maximumf %max3A_1113, %mul3A_1114 : vector<16xf32>
      %add3A_1116 = arith.constant 16 : i32
      %add3A_1117 = arith.addi %mul3A_1108, %add3A_1116 : i32
      %get3A_1118 = arith.index_cast %add3A_1117 : i32 to index
      %get3A_1119 = tpu.vector_load %arg7[%get3A_1118] {strides = array<i32>} : memref<48000xf32, #tpu.memory_space<vmem>>, vector<16xf32>,
      %get3A_1120 = vector.shape_cast %get3A_1119 : vector<16xf32> to vector<16xf32>
      %mul3A_1121 = arith.mulf %max3A_1084, %get3A_1101 : vector<16xf32>
      %max3A_1122 = arith.maximumf %get3A_1120, %mul3A_1121 : vector<16xf32>
      %mul3A_1123 = arith.mulf %max3A_578, %get3A_1106 : vector<16xf32>
      %max3A_1124 = arith.maximumf %max3A_1122, %mul3A_1123 : vector<16xf32>
      %swap3A_1125 = arith.index_cast %mul3A_1108 : i32 to index
      %swap3A_1126 = tpu.vector_load %arg7[%swap3A_1125] {strides = array<i32>} : memref<48000xf32, #tpu.memory_space<vmem>>, vector<16xf32>,
      %swap3A_1127 = vector.shape_cast %swap3A_1126 : vector<16xf32> to vector<16xf32>
      %swap3A_1128 = vector.shape_cast %max3A_1115 : vector<16xf32> to vector<16xf32>
      tpu.vector_store %arg7[%swap3A_1125], %swap3A_1128 {strides = array<i32>} : memref<48000xf32, #tpu.memory_space<vmem>>, vector<16xf32>,
      %add3A_1129 = arith.constant 16 : i32
      %add3A_1130 = arith.addi %mul3A_1108, %add3A_1129 : i32
      %swap3A_1131 = arith.index_cast %add3A_1130 : i32 to index
      %swap3A_1132 = tpu.vector_load %arg7[%swap3A_1131] {strides = array<i32>} : memref<48000xf32, #tpu.memory_space<vmem>>, vector<16xf32>,
      %swap3A_1133 = vector.shape_cast %swap3A_1132 : vector<16xf32> to vector<16xf32>
      %swap3A_1134 = vector.shape_cast %max3A_1124 : vector<16xf32> to vector<16xf32>
      tpu.vector_store %arg7[%swap3A_1131], %swap3A_1134 {strides = array<i32>} : memref<48000xf32, #tpu.memory_space<vmem>>, vector<16xf32>,
      scf.yield %max3A_1115, %max3A_1124 : vector<16xf32>, vector<16xf32>
    }
    %scan3A_1017 = arith.constant 749 : i32
    %get3A_1018 = arith.constant 16 : index
    %get3A_1019 = tpu.vector_load %arg8[%get3A_1018] {strides = array<i32>} : memref<24064xf32, #tpu.memory_space<vmem>>, vector<16xf32>,
    %get3A_1020 = vector.shape_cast %get3A_1019 : vector<16xf32> to vector<16xf32>
    %get3A_1021 = arith.constant 0 : index
    %get3A_1022 = tpu.vector_load %arg9[%get3A_1021] {strides = array<i32>} : memref<24000xf32, #tpu.memory_space<vmem>>, vector<16xf32>,
    %get3A_1023 = vector.shape_cast %get3A_1022 : vector<16xf32> to vector<16xf32>
    %get3A_1024 = arith.constant 0 : index
    %get3A_1025 = tpu.vector_load %arg7[%get3A_1024] {strides = array<i32>} : memref<48000xf32, #tpu.memory_space<vmem>>, vector<16xf32>,
    %get3A_1026 = vector.shape_cast %get3A_1025 : vector<16xf32> to vector<16xf32>
    %mul3A_1027 = arith.mulf %scan3A_1016#0, %get3A_1020 : vector<16xf32>
    %max3A_1028 = arith.maximumf %get3A_1026, %mul3A_1027 : vector<16xf32>
    %mul3A_1029 = arith.mulf %max3A_569, %get3A_1023 : vector<16xf32>
    %max3A_1030 = arith.maximumf %max3A_1028, %mul3A_1029 : vector<16xf32>
    %get3A_1031 = arith.constant 16 : index
    %get3A_1032 = tpu.vector_load %arg7[%get3A_1031] {strides = array<i32>} : memref<48000xf32, #tpu.memory_space<vmem>>, vector<16xf32>,
    %get3A_1033 = vector.shape_cast %get3A_1032 : vector<16xf32> to vector<16xf32>
    %mul3A_1034 = arith.mulf %scan3A_1016#1, %get3A_1020 : vector<16xf32>
    %max3A_1035 = arith.maximumf %get3A_1033, %mul3A_1034 : vector<16xf32>
    %mul3A_1036 = arith.mulf %max3A_578, %get3A_1023 : vector<16xf32>
    %max3A_1037 = arith.maximumf %max3A_1035, %mul3A_1036 : vector<16xf32>
    %swap3A_1038 = arith.constant 0 : index
    %swap3A_1039 = tpu.vector_load %arg7[%swap3A_1038] {strides = array<i32>} : memref<48000xf32, #tpu.memory_space<vmem>>, vector<16xf32>,
    %swap3A_1040 = vector.shape_cast %swap3A_1039 : vector<16xf32> to vector<16xf32>
    %swap3A_1041 = vector.shape_cast %max3A_1030 : vector<16xf32> to vector<16xf32>
    tpu.vector_store %arg7[%swap3A_1038], %swap3A_1041 {strides = array<i32>} : memref<48000xf32, #tpu.memory_space<vmem>>, vector<16xf32>,
    %swap3A_1042 = arith.constant 16 : index
    %swap3A_1043 = tpu.vector_load %arg7[%swap3A_1042] {strides = array<i32>} : memref<48000xf32, #tpu.memory_space<vmem>>, vector<16xf32>,
    %swap3A_1044 = vector.shape_cast %swap3A_1043 : vector<16xf32> to vector<16xf32>
    %swap3A_1045 = vector.shape_cast %max3A_1037 : vector<16xf32> to vector<16xf32>
    tpu.vector_store %arg7[%swap3A_1042], %swap3A_1045 {strides = array<i32>} : memref<48000xf32, #tpu.memory_space<vmem>>, vector<16xf32>,
    "tpu.region"() ({
      %run_scoped3A = tpu.sem_alloc : memref<!tpu.dma_semaphore, #tpu.memory_space<semaphore_mem>>
      %dma_start3A = tpu.memref_slice %arg6[%mul3A_2] : memref<1536000xf32, #tpu.memory_space<hbm>> -> memref<48000xf32, #tpu.memory_space<hbm>>
      %dma_start3A_1046 = tpu.memref_slice %arg6[%mul3A_2] : memref<1536000xf32, #tpu.memory_space<hbm>> -> memref<48000xf32, #tpu.memory_space<hbm>>
      tpu.enqueue_dma source(%arg7 : memref<48000xf32, #tpu.memory_space<vmem>>) target(%dma_start3A_1046 : memref<48000xf32, #tpu.memory_space<hbm>>) target_semaphore(%run_scoped3A : memref<!tpu.dma_semaphore, #tpu.memory_space<semaphore_mem>>)
      %dma_wait3A = tpu.memref_slice %arg6[%mul3A_2] : memref<1536000xf32, #tpu.memory_space<hbm>> -> memref<48000xf32, #tpu.memory_space<hbm>>
      %dma_wait3A_1047 = tpu.memref_slice %arg6[%mul3A_2] : memref<1536000xf32, #tpu.memory_space<hbm>> -> memref<48000xf32, #tpu.memory_space<hbm>>
      tpu.wait_dma2 semaphore(%run_scoped3A : memref<!tpu.dma_semaphore, #tpu.memory_space<semaphore_mem>>) src(%arg7 : memref<48000xf32, #tpu.memory_space<vmem>>) dst(%dma_wait3A_1047 : memref<48000xf32, #tpu.memory_space<hbm>>)
      tpu.yield
    }) : () -> ()
    return
  }
}

module attributes {stable_mosaic.version = 14 : i64} {
  func.func @_main_body(%arg0: i32, %arg1: memref<1x3000x36xf32, #tpu.memory_space<vmem>>, %arg2: memref<1x1504x8xi32, #tpu.memory_space<vmem>>, %arg3: memref<1x1504x8xi32, #tpu.memory_space<vmem>>, %arg4: memref<36x128xf32, #tpu.memory_space<vmem>>, %arg5: memref<8x128xf32, #tpu.memory_space<vmem>>, %arg6: memref<1x3000x128xf32, #tpu.memory_space<vmem>>, %arg7: memref<1x1504x128xf32, #tpu.memory_space<vmem>>, %arg8: memref<1x8x32xi32, #tpu.memory_space<vmem>>, %arg9: memref<1x37x36xf32, #tpu.memory_space<vmem>>) attributes {dimension_semantics = [#tpu.dimension_semantics<arbitrary>], iteration_bounds = array<i64: 4>, scalar_prefetch = 0 : i64, scratch_operands = 0 : i64, tpu.core_type = #tpu.core_type<tc>, window_params = [{transform_indices = @transform_0, window_bounds = array<i64: 1, 3000, 36>}, {transform_indices = @transform_1, window_bounds = array<i64: 1, 1504, 8>}, {transform_indices = @transform_2, window_bounds = array<i64: 1, 1504, 8>}, {pipeline_mode = #tpu.pipeline_mode<synchronous>, transform_indices = @transform_3, window_bounds = array<i64: 36, 128>}, {pipeline_mode = #tpu.pipeline_mode<synchronous>, transform_indices = @transform_4, window_bounds = array<i64: 8, 128>}, {transform_indices = @transform_5, window_bounds = array<i64: 1, 3000, 128>}, {transform_indices = @transform_6, window_bounds = array<i64: 1, 1504, 128>}, {transform_indices = @transform_7, window_bounds = array<i64: 1, 8, 32>}, {transform_indices = @transform_8, window_bounds = array<i64: 1, 37, 36>}]} {
    %get3A = arith.constant 0 : index
    %get3A_0 = arith.constant 0 : index
    %get3A_1 = arith.constant 0 : index
    %get3A_2 = vector.load %arg1[%get3A, %get3A_0, %get3A_1] : memref<1x3000x36xf32, #tpu.memory_space<vmem>>, vector<1x3000x36xf32>
    %reshape3A = vector.shape_cast %get3A_2 : vector<1x3000x36xf32> to vector<3000x36xf32>
    %get3A_3 = arith.constant 0 : index
    %get3A_4 = arith.constant 0 : index
    %get3A_5 = vector.load %arg4[%get3A_3, %get3A_4] : memref<36x128xf32, #tpu.memory_space<vmem>>, vector<36x128xf32>
    %dot_general3A = arith.constant dense<0.000000e+00> : vector<3000x128xf32>
    %dot_general3A_6 = tpu.matmul %reshape3A, %get3A_5, %dot_general3A {dimension_numbers = #tpu.dot_dimension_numbers<[1], [0], [0], [1], [0, 0, 1, 1], [], []>, transpose_lhs_hint = false} : vector<3000x36xf32>, vector<36x128xf32>, vector<3000x128xf32> -> vector<3000x128xf32>
    %reshape3A_7 = vector.shape_cast %dot_general3A_6 : vector<3000x128xf32> to vector<1x3000x128xf32>
    %swap3A = arith.constant 0 : index
    %swap3A_8 = arith.constant 0 : index
    %swap3A_9 = arith.constant 0 : index
    %swap3A_10 = vector.load %arg6[%swap3A, %swap3A_8, %swap3A_9] : memref<1x3000x128xf32, #tpu.memory_space<vmem>>, vector<1x3000x128xf32>
    tpu.vector_store %arg6[%swap3A, %swap3A_8, %swap3A_9], %reshape3A_7 {strides = array<i32>} : memref<1x3000x128xf32, #tpu.memory_space<vmem>>, vector<1x3000x128xf32>,
    %dot_general3A_11 = arith.constant dense<0.000000e+00> : vector<36x36xf32>
    %dot_general3A_12 = tpu.matmul %reshape3A, %reshape3A, %dot_general3A_11 {dimension_numbers = #tpu.dot_dimension_numbers<[0], [0], [1], [1], [0, 1, 1, 1], [], []>, transpose_lhs_hint = false} : vector<3000x36xf32>, vector<3000x36xf32>, vector<36x36xf32> -> vector<36x36xf32>
    %reduce_sum3A = arith.constant dense<0.000000e+00> : vector<36xf32>
    %reduce_sum3A_13 = vector.multi_reduction <add>, %reshape3A, %reduce_sum3A [0] : vector<3000x36xf32> to vector<36xf32>
    %broadcast_in_dim3A = vector.shape_cast %reduce_sum3A_13 : vector<36xf32> to vector<1x36xf32>
    %concatenate3A = tpu.concatenate %dot_general3A_12, %broadcast_in_dim3A in 0 : vector<36x36xf32>, vector<1x36xf32> -> vector<37x36xf32>
    %reshape3A_14 = vector.shape_cast %concatenate3A : vector<37x36xf32> to vector<1x37x36xf32>
    %swap3A_15 = arith.constant 0 : index
    %swap3A_16 = arith.constant 0 : index
    %swap3A_17 = arith.constant 0 : index
    %swap3A_18 = vector.load %arg9[%swap3A_15, %swap3A_16, %swap3A_17] : memref<1x37x36xf32, #tpu.memory_space<vmem>>, vector<1x37x36xf32>
    tpu.vector_store %arg9[%swap3A_15, %swap3A_16, %swap3A_17], %reshape3A_14 {strides = array<i32>} : memref<1x37x36xf32, #tpu.memory_space<vmem>>, vector<1x37x36xf32>,
    %get3A_19 = arith.constant 0 : index
    %get3A_20 = arith.constant 0 : index
    %get3A_21 = arith.constant 0 : index
    %get3A_22 = vector.load %arg2[%get3A_19, %get3A_20, %get3A_21] : memref<1x1504x8xi32, #tpu.memory_space<vmem>>, vector<1x1504x8xi32>
    %reshape3A_23 = vector.shape_cast %get3A_22 : vector<1x1504x8xi32> to vector<1504x8xi32>
    %get3A_24 = arith.constant 0 : index
    %get3A_25 = arith.constant 0 : index
    %get3A_26 = arith.constant 0 : index
    %get3A_27 = vector.load %arg3[%get3A_24, %get3A_25, %get3A_26] : memref<1x1504x8xi32, #tpu.memory_space<vmem>>, vector<1x1504x8xi32>
    %reshape3A_28 = vector.shape_cast %get3A_27 : vector<1x1504x8xi32> to vector<1504x8xi32>
    %eq3A = arith.cmpi eq, %reshape3A_23, %reshape3A_28 : vector<1504x8xi32>
    %ge3A = arith.constant 0 : i32
    %ge3A_29 = vector.broadcast %ge3A : i32 to vector<1504x8xi32>
    %ge3A_30 = arith.cmpi sge, %reshape3A_23, %ge3A_29 : vector<1504x8xi32>
    %and3A = arith.andi %eq3A, %ge3A_30 : vector<1504x8xi1>
    %jit3A = arith.constant 1.000000e+00 : f32
    %jit3A_31 = arith.constant 0.000000e+00 : f32
    %broadcast_in_dim3A_32 = vector.broadcast %jit3A : f32 to vector<1504x8xf32>
    %broadcast_in_dim3A_33 = vector.broadcast %jit3A_31 : f32 to vector<1504x8xf32>
    %select_n3A = arith.select %and3A, %broadcast_in_dim3A_32, %broadcast_in_dim3A_33 : vector<1504x8xi1>, vector<1504x8xf32>
    %get3A_34 = arith.constant 0 : index
    %get3A_35 = arith.constant 0 : index
    %get3A_36 = vector.load %arg5[%get3A_34, %get3A_35] : memref<8x128xf32, #tpu.memory_space<vmem>>, vector<8x128xf32>
    %dot_general3A_37 = arith.constant dense<0.000000e+00> : vector<1504x128xf32>
    %dot_general3A_38 = tpu.matmul %select_n3A, %get3A_36, %dot_general3A_37 {dimension_numbers = #tpu.dot_dimension_numbers<[1], [0], [0], [1], [0, 0, 1, 1], [], []>, transpose_lhs_hint = false} : vector<1504x8xf32>, vector<8x128xf32>, vector<1504x128xf32> -> vector<1504x128xf32>
    %reshape3A_39 = vector.shape_cast %dot_general3A_38 : vector<1504x128xf32> to vector<1x1504x128xf32>
    %swap3A_40 = arith.constant 0 : index
    %swap3A_41 = arith.constant 0 : index
    %swap3A_42 = arith.constant 0 : index
    %swap3A_43 = vector.load %arg7[%swap3A_40, %swap3A_41, %swap3A_42] : memref<1x1504x128xf32, #tpu.memory_space<vmem>>, vector<1x1504x128xf32>
    tpu.vector_store %arg7[%swap3A_40, %swap3A_41, %swap3A_42], %reshape3A_39 {strides = array<i32>} : memref<1x1504x128xf32, #tpu.memory_space<vmem>>, vector<1x1504x128xf32>,
    %slice3A = vector.extract_strided_slice %reshape3A_23 {offsets = [0, 0], sizes = [1, 1], strides = [1, 1]} : vector<1504x8xi32> to vector<1x1xi32>
    %slice3A_44 = vector.extract_strided_slice %reshape3A_23 {offsets = [187, 3], sizes = [1, 1], strides = [1, 1]} : vector<1504x8xi32> to vector<1x1xi32>
    %broadcast_in_dim3A_45 = vector.shape_cast %slice3A : vector<1x1xi32> to vector<1x1xi32>
    %broadcast_in_dim3A_46 = vector.broadcast %broadcast_in_dim3A_45 : vector<1x1xi32> to vector<1x16xi32>
    %broadcast_in_dim3A_47 = vector.shape_cast %slice3A_44 : vector<1x1xi32> to vector<1x1xi32>
    %broadcast_in_dim3A_48 = vector.broadcast %broadcast_in_dim3A_47 : vector<1x1xi32> to vector<1x16xi32>
    %concatenate3A_49 = tpu.concatenate %broadcast_in_dim3A_46, %broadcast_in_dim3A_48 in 1 : vector<1x16xi32>, vector<1x16xi32> -> vector<1x32xi32>
    %slice3A_50 = vector.extract_strided_slice %reshape3A_23 {offsets = [188, 0], sizes = [1, 1], strides = [1, 1]} : vector<1504x8xi32> to vector<1x1xi32>
    %slice3A_51 = vector.extract_strided_slice %reshape3A_23 {offsets = [375, 3], sizes = [1, 1], strides = [1, 1]} : vector<1504x8xi32> to vector<1x1xi32>
    %broadcast_in_dim3A_52 = vector.shape_cast %slice3A_50 : vector<1x1xi32> to vector<1x1xi32>
    %broadcast_in_dim3A_53 = vector.broadcast %broadcast_in_dim3A_52 : vector<1x1xi32> to vector<1x16xi32>
    %broadcast_in_dim3A_54 = vector.shape_cast %slice3A_51 : vector<1x1xi32> to vector<1x1xi32>
    %broadcast_in_dim3A_55 = vector.broadcast %broadcast_in_dim3A_54 : vector<1x1xi32> to vector<1x16xi32>
    %concatenate3A_56 = tpu.concatenate %broadcast_in_dim3A_53, %broadcast_in_dim3A_55 in 1 : vector<1x16xi32>, vector<1x16xi32> -> vector<1x32xi32>
    %slice3A_57 = vector.extract_strided_slice %reshape3A_23 {offsets = [376, 0], sizes = [1, 1], strides = [1, 1]} : vector<1504x8xi32> to vector<1x1xi32>
    %slice3A_58 = vector.extract_strided_slice %reshape3A_23 {offsets = [563, 3], sizes = [1, 1], strides = [1, 1]} : vector<1504x8xi32> to vector<1x1xi32>
    %broadcast_in_dim3A_59 = vector.shape_cast %slice3A_57 : vector<1x1xi32> to vector<1x1xi32>
    %broadcast_in_dim3A_60 = vector.broadcast %broadcast_in_dim3A_59 : vector<1x1xi32> to vector<1x16xi32>
    %broadcast_in_dim3A_61 = vector.shape_cast %slice3A_58 : vector<1x1xi32> to vector<1x1xi32>
    %broadcast_in_dim3A_62 = vector.broadcast %broadcast_in_dim3A_61 : vector<1x1xi32> to vector<1x16xi32>
    %concatenate3A_63 = tpu.concatenate %broadcast_in_dim3A_60, %broadcast_in_dim3A_62 in 1 : vector<1x16xi32>, vector<1x16xi32> -> vector<1x32xi32>
    %slice3A_64 = vector.extract_strided_slice %reshape3A_23 {offsets = [564, 0], sizes = [1, 1], strides = [1, 1]} : vector<1504x8xi32> to vector<1x1xi32>
    %slice3A_65 = vector.extract_strided_slice %reshape3A_23 {offsets = [751, 3], sizes = [1, 1], strides = [1, 1]} : vector<1504x8xi32> to vector<1x1xi32>
    %broadcast_in_dim3A_66 = vector.shape_cast %slice3A_64 : vector<1x1xi32> to vector<1x1xi32>
    %broadcast_in_dim3A_67 = vector.broadcast %broadcast_in_dim3A_66 : vector<1x1xi32> to vector<1x16xi32>
    %broadcast_in_dim3A_68 = vector.shape_cast %slice3A_65 : vector<1x1xi32> to vector<1x1xi32>
    %broadcast_in_dim3A_69 = vector.broadcast %broadcast_in_dim3A_68 : vector<1x1xi32> to vector<1x16xi32>
    %concatenate3A_70 = tpu.concatenate %broadcast_in_dim3A_67, %broadcast_in_dim3A_69 in 1 : vector<1x16xi32>, vector<1x16xi32> -> vector<1x32xi32>
    %slice3A_71 = vector.extract_strided_slice %reshape3A_23 {offsets = [752, 0], sizes = [1, 1], strides = [1, 1]} : vector<1504x8xi32> to vector<1x1xi32>
    %slice3A_72 = vector.extract_strided_slice %reshape3A_23 {offsets = [939, 3], sizes = [1, 1], strides = [1, 1]} : vector<1504x8xi32> to vector<1x1xi32>
    %broadcast_in_dim3A_73 = vector.shape_cast %slice3A_71 : vector<1x1xi32> to vector<1x1xi32>
    %broadcast_in_dim3A_74 = vector.broadcast %broadcast_in_dim3A_73 : vector<1x1xi32> to vector<1x16xi32>
    %broadcast_in_dim3A_75 = vector.shape_cast %slice3A_72 : vector<1x1xi32> to vector<1x1xi32>
    %broadcast_in_dim3A_76 = vector.broadcast %broadcast_in_dim3A_75 : vector<1x1xi32> to vector<1x16xi32>
    %concatenate3A_77 = tpu.concatenate %broadcast_in_dim3A_74, %broadcast_in_dim3A_76 in 1 : vector<1x16xi32>, vector<1x16xi32> -> vector<1x32xi32>
    %slice3A_78 = vector.extract_strided_slice %reshape3A_23 {offsets = [940, 0], sizes = [1, 1], strides = [1, 1]} : vector<1504x8xi32> to vector<1x1xi32>
    %slice3A_79 = vector.extract_strided_slice %reshape3A_23 {offsets = [1127, 3], sizes = [1, 1], strides = [1, 1]} : vector<1504x8xi32> to vector<1x1xi32>
    %broadcast_in_dim3A_80 = vector.shape_cast %slice3A_78 : vector<1x1xi32> to vector<1x1xi32>
    %broadcast_in_dim3A_81 = vector.broadcast %broadcast_in_dim3A_80 : vector<1x1xi32> to vector<1x16xi32>
    %broadcast_in_dim3A_82 = vector.shape_cast %slice3A_79 : vector<1x1xi32> to vector<1x1xi32>
    %broadcast_in_dim3A_83 = vector.broadcast %broadcast_in_dim3A_82 : vector<1x1xi32> to vector<1x16xi32>
    %concatenate3A_84 = tpu.concatenate %broadcast_in_dim3A_81, %broadcast_in_dim3A_83 in 1 : vector<1x16xi32>, vector<1x16xi32> -> vector<1x32xi32>
    %slice3A_85 = vector.extract_strided_slice %reshape3A_23 {offsets = [1128, 0], sizes = [1, 1], strides = [1, 1]} : vector<1504x8xi32> to vector<1x1xi32>
    %slice3A_86 = vector.extract_strided_slice %reshape3A_23 {offsets = [1315, 3], sizes = [1, 1], strides = [1, 1]} : vector<1504x8xi32> to vector<1x1xi32>
    %broadcast_in_dim3A_87 = vector.shape_cast %slice3A_85 : vector<1x1xi32> to vector<1x1xi32>
    %broadcast_in_dim3A_88 = vector.broadcast %broadcast_in_dim3A_87 : vector<1x1xi32> to vector<1x16xi32>
    %broadcast_in_dim3A_89 = vector.shape_cast %slice3A_86 : vector<1x1xi32> to vector<1x1xi32>
    %broadcast_in_dim3A_90 = vector.broadcast %broadcast_in_dim3A_89 : vector<1x1xi32> to vector<1x16xi32>
    %concatenate3A_91 = tpu.concatenate %broadcast_in_dim3A_88, %broadcast_in_dim3A_90 in 1 : vector<1x16xi32>, vector<1x16xi32> -> vector<1x32xi32>
    %slice3A_92 = vector.extract_strided_slice %reshape3A_23 {offsets = [1316, 0], sizes = [1, 1], strides = [1, 1]} : vector<1504x8xi32> to vector<1x1xi32>
    %slice3A_93 = vector.extract_strided_slice %reshape3A_23 {offsets = [1503, 3], sizes = [1, 1], strides = [1, 1]} : vector<1504x8xi32> to vector<1x1xi32>
    %broadcast_in_dim3A_94 = vector.shape_cast %slice3A_92 : vector<1x1xi32> to vector<1x1xi32>
    %broadcast_in_dim3A_95 = vector.broadcast %broadcast_in_dim3A_94 : vector<1x1xi32> to vector<1x16xi32>
    %broadcast_in_dim3A_96 = vector.shape_cast %slice3A_93 : vector<1x1xi32> to vector<1x1xi32>
    %broadcast_in_dim3A_97 = vector.broadcast %broadcast_in_dim3A_96 : vector<1x1xi32> to vector<1x16xi32>
    %concatenate3A_98 = tpu.concatenate %broadcast_in_dim3A_95, %broadcast_in_dim3A_97 in 1 : vector<1x16xi32>, vector<1x16xi32> -> vector<1x32xi32>
    %concatenate3A_99 = tpu.concatenate %concatenate3A_49, %concatenate3A_56, %concatenate3A_63, %concatenate3A_70, %concatenate3A_77, %concatenate3A_84, %concatenate3A_91, %concatenate3A_98 in 0 : vector<1x32xi32>, vector<1x32xi32>, vector<1x32xi32>, vector<1x32xi32>, vector<1x32xi32>, vector<1x32xi32>, vector<1x32xi32>, vector<1x32xi32> -> vector<8x32xi32>
    %reshape3A_100 = vector.shape_cast %concatenate3A_99 : vector<8x32xi32> to vector<1x8x32xi32>
    %swap3A_101 = arith.constant 0 : index
    %swap3A_102 = arith.constant 0 : index
    %swap3A_103 = arith.constant 0 : index
    %swap3A_104 = vector.load %arg8[%swap3A_101, %swap3A_102, %swap3A_103] : memref<1x8x32xi32, #tpu.memory_space<vmem>>, vector<1x8x32xi32>
    tpu.vector_store %arg8[%swap3A_101, %swap3A_102, %swap3A_103], %reshape3A_100 {strides = array<i32>} : memref<1x8x32xi32, #tpu.memory_space<vmem>>, vector<1x8x32xi32>,
    return
  }
  func.func @transform_0(%arg0: i32) -> (i32, i32, i32) {
    %c0_i32 = arith.constant 0 : i32
    %c0_i32_0 = arith.constant 0 : i32
    %c0_i32_1 = arith.constant 0 : i32
    return %arg0, %c0_i32, %c0_i32_0 : i32, i32, i32
  }
  func.func @transform_1(%arg0: i32) -> (i32, i32, i32) {
    %c0_i32 = arith.constant 0 : i32
    %c0_i32_0 = arith.constant 0 : i32
    %c0_i32_1 = arith.constant 0 : i32
    return %arg0, %c0_i32, %c0_i32_0 : i32, i32, i32
  }
  func.func @transform_2(%arg0: i32) -> (i32, i32, i32) {
    %c0_i32 = arith.constant 0 : i32
    %c0_i32_0 = arith.constant 0 : i32
    %c0_i32_1 = arith.constant 0 : i32
    return %arg0, %c0_i32, %c0_i32_0 : i32, i32, i32
  }
  func.func @transform_3(%arg0: i32) -> (i32, i32) {
    %c0_i32 = arith.constant 0 : i32
    %c0_i32_0 = arith.constant 0 : i32
    %c0_i32_1 = arith.constant 0 : i32
    return %c0_i32, %c0_i32_0 : i32, i32
  }
  func.func @transform_4(%arg0: i32) -> (i32, i32) {
    %c0_i32 = arith.constant 0 : i32
    %c0_i32_0 = arith.constant 0 : i32
    %c0_i32_1 = arith.constant 0 : i32
    return %c0_i32, %c0_i32_0 : i32, i32
  }
  func.func @transform_5(%arg0: i32) -> (i32, i32, i32) {
    %c0_i32 = arith.constant 0 : i32
    %c0_i32_0 = arith.constant 0 : i32
    %c0_i32_1 = arith.constant 0 : i32
    return %arg0, %c0_i32, %c0_i32_0 : i32, i32, i32
  }
  func.func @transform_6(%arg0: i32) -> (i32, i32, i32) {
    %c0_i32 = arith.constant 0 : i32
    %c0_i32_0 = arith.constant 0 : i32
    %c0_i32_1 = arith.constant 0 : i32
    return %arg0, %c0_i32, %c0_i32_0 : i32, i32, i32
  }
  func.func @transform_7(%arg0: i32) -> (i32, i32, i32) {
    %c0_i32 = arith.constant 0 : i32
    %c0_i32_0 = arith.constant 0 : i32
    %c0_i32_1 = arith.constant 0 : i32
    return %arg0, %c0_i32, %c0_i32_0 : i32, i32, i32
  }
  func.func @transform_8(%arg0: i32) -> (i32, i32, i32) {
    %c0_i32 = arith.constant 0 : i32
    %c0_i32_0 = arith.constant 0 : i32
    %c0_i32_1 = arith.constant 0 : i32
    return %arg0, %c0_i32, %c0_i32_0 : i32, i32, i32
  }
}

module attributes {stable_mosaic.version = 14 : i64} {
  func.func @_out_body(%arg0: i32, %arg1: memref<1x9x12000xf32, #tpu.memory_space<vmem>>, %arg2: memref<1x12000x32xf32, #tpu.memory_space<vmem>>, %arg3: memref<32x9xf32, #tpu.memory_space<vmem>>, %arg4: memref<32x2xf32, #tpu.memory_space<vmem>>, %arg5: memref<1x64x12000xf32, #tpu.memory_space<vmem>>) attributes {dimension_semantics = [#tpu.dimension_semantics<arbitrary>], iteration_bounds = array<i64: 4>, scalar_prefetch = 0 : i64, scratch_operands = 0 : i64, tpu.core_type = #tpu.core_type<tc>, window_params = [{transform_indices = @transform_0, window_bounds = array<i64: 1, 9, 12000>}, {transform_indices = @transform_1, window_bounds = array<i64: 1, 12000, 32>}, {pipeline_mode = #tpu.pipeline_mode<synchronous>, transform_indices = @transform_2, window_bounds = array<i64: 32, 9>}, {pipeline_mode = #tpu.pipeline_mode<synchronous>, transform_indices = @transform_3, window_bounds = array<i64: 32, 2>}, {transform_indices = @transform_4, window_bounds = array<i64: 1, 64, 12000>}]} {
    %get3A = arith.constant 0 : index
    %get3A_0 = arith.constant 0 : index
    %get3A_1 = arith.constant 0 : index
    %get3A_2 = vector.load %arg1[%get3A, %get3A_0, %get3A_1] : memref<1x9x12000xf32, #tpu.memory_space<vmem>>, vector<1x9x12000xf32>
    %reshape3A = vector.shape_cast %get3A_2 : vector<1x9x12000xf32> to vector<9x12000xf32>
    %get3A_3 = arith.constant 0 : index
    %get3A_4 = arith.constant 0 : index
    %get3A_5 = vector.load %arg3[%get3A_3, %get3A_4] : memref<32x9xf32, #tpu.memory_space<vmem>>, vector<32x9xf32>
    %dot_general3A = arith.constant dense<0.000000e+00> : vector<32x12000xf32>
    %dot_general3A_6 = tpu.matmul %get3A_5, %reshape3A, %dot_general3A {dimension_numbers = #tpu.dot_dimension_numbers<[1], [0], [0], [1], [0, 0, 1, 1], [], []>, transpose_lhs_hint = false} : vector<32x9xf32>, vector<9x12000xf32>, vector<32x12000xf32> -> vector<32x12000xf32>
    %get3A_7 = arith.constant 0 : index
    %get3A_8 = arith.constant 0 : index
    %get3A_9 = vector.load %arg4[%get3A_7, %get3A_8] : memref<32x2xf32, #tpu.memory_space<vmem>>, vector<32x2xf32>
    %slice3A = vector.extract_strided_slice %get3A_9 {offsets = [0, 0], sizes = [32, 1], strides = [1, 1]} : vector<32x2xf32> to vector<32x1xf32>
    %get3A_10 = arith.constant 0 : index
    %get3A_11 = arith.constant 0 : index
    %get3A_12 = vector.load %arg4[%get3A_10, %get3A_11] : memref<32x2xf32, #tpu.memory_space<vmem>>, vector<32x2xf32>
    %slice3A_13 = vector.extract_strided_slice %get3A_12 {offsets = [0, 1], sizes = [32, 1], strides = [1, 1]} : vector<32x2xf32> to vector<32x1xf32>
    %mul3A = vector.broadcast %slice3A : vector<32x1xf32> to vector<32x12000xf32>
    %mul3A_14 = arith.mulf %dot_general3A_6, %mul3A : vector<32x12000xf32>
    %add3A = vector.broadcast %slice3A_13 : vector<32x1xf32> to vector<32x12000xf32>
    %add3A_15 = arith.addf %mul3A_14, %add3A : vector<32x12000xf32>
    %max3A = arith.constant 0.000000e+00 : f32
    %max3A_16 = vector.broadcast %max3A : f32 to vector<32x12000xf32>
    %max3A_17 = arith.maximumf %add3A_15, %max3A_16 : vector<32x12000xf32>
    %get3A_18 = arith.constant 0 : index
    %get3A_19 = arith.constant 0 : index
    %get3A_20 = arith.constant 0 : index
    %get3A_21 = vector.load %arg2[%get3A_18, %get3A_19, %get3A_20] : memref<1x12000x32xf32, #tpu.memory_space<vmem>>, vector<1x12000x32xf32>
    %reshape3A_22 = vector.shape_cast %get3A_21 : vector<1x12000x32xf32> to vector<12000x32xf32>
    %transpose3A = tpu.transpose %reshape3A_22, [1, 0] : vector<12000x32xf32> -> vector<32x12000xf32>
    %concatenate3A = tpu.concatenate %max3A_17, %transpose3A in 0 : vector<32x12000xf32>, vector<32x12000xf32> -> vector<64x12000xf32>
    %reshape3A_23 = vector.shape_cast %concatenate3A : vector<64x12000xf32> to vector<1x64x12000xf32>
    %swap3A = arith.constant 0 : index
    %swap3A_24 = arith.constant 0 : index
    %swap3A_25 = arith.constant 0 : index
    %swap3A_26 = vector.load %arg5[%swap3A, %swap3A_24, %swap3A_25] : memref<1x64x12000xf32, #tpu.memory_space<vmem>>, vector<1x64x12000xf32>
    tpu.vector_store %arg5[%swap3A, %swap3A_24, %swap3A_25], %reshape3A_23 {strides = array<i32>} : memref<1x64x12000xf32, #tpu.memory_space<vmem>>, vector<1x64x12000xf32>,
    return
  }
  func.func @transform_0(%arg0: i32) -> (i32, i32, i32) {
    %c0_i32 = arith.constant 0 : i32
    %c0_i32_0 = arith.constant 0 : i32
    %c0_i32_1 = arith.constant 0 : i32
    return %arg0, %c0_i32, %c0_i32_0 : i32, i32, i32
  }
  func.func @transform_1(%arg0: i32) -> (i32, i32, i32) {
    %c0_i32 = arith.constant 0 : i32
    %c0_i32_0 = arith.constant 0 : i32
    %c0_i32_1 = arith.constant 0 : i32
    return %arg0, %c0_i32, %c0_i32_0 : i32, i32, i32
  }
  func.func @transform_2(%arg0: i32) -> (i32, i32) {
    %c0_i32 = arith.constant 0 : i32
    %c0_i32_0 = arith.constant 0 : i32
    %c0_i32_1 = arith.constant 0 : i32
    return %c0_i32, %c0_i32_0 : i32, i32
  }
  func.func @transform_3(%arg0: i32) -> (i32, i32) {
    %c0_i32 = arith.constant 0 : i32
    %c0_i32_0 = arith.constant 0 : i32
    %c0_i32_1 = arith.constant 0 : i32
    return %c0_i32, %c0_i32_0 : i32, i32
  }
  func.func @transform_4(%arg0: i32) -> (i32, i32, i32) {
    %c0_i32 = arith.constant 0 : i32
    %c0_i32_0 = arith.constant 0 : i32
    %c0_i32_1 = arith.constant 0 : i32
    return %arg0, %c0_i32, %c0_i32_0 : i32, i32, i32
  }
}

</mosaic_0001>

<sc_bundles>
// kernel: kernel.5.cloned.1.call-start
scs
__scs_entry_jumppad:
0x0: {  	(pc) =	sbr.rel $0x88, $3  }
0x1: {  	(tag) =	ssettag $0x0;
	lr =	simm.s32 $0x1  }
0x2: {  	[smem:$0x3F9C] =	sst lr;
	_ =	strace $0xD0000000  }
0x3: {  	_ = 	snop  }
0x4: {  	_ = 	snop  }
0x5: {  	_ = 	snop  }
0x6: {  	_ = 	snop  }
0x7: {  	_ = 	snop  }
__scs_overlays_trampoline_lowered:
0x8: {  	[smem:$0x3FAB] =	sst s0  }
0x9: {  	[smem:$0x3FAC] =	sst s1  }
0xa: {  	[smem:$0x3FAD] =	sst s2  }
0xb: {  	[smem:$0x3FAE] =	sst s3  }
0xc: {  	[smem:$0x3FAF] =	sst s4  }
0xd: {  	[smem:$0x3FB0] =	sst s5  }
0xe: {  	[smem:$0x3FB1] =	sst s6  }
0xf: {  	[smem:$0x3FB2] =	sst s7  }
0x10: {  	[smem:$0x3FB3] =	sst s8  }
0x11: {  	[smem:$0x3FB4] =	sst s9;
	s0 =	simm.s32 @!p0 $0x0  }
0x12: {  	s1 =	sld [smem:$0x3F9A];
	s0 =	simm.s32 @p0 $0x1  }
0x13: {  	[smem:$0x3FB5] =	sst s0;
	s0 =	simm.s32 @!p1 $0x0  }
0x14: {  	s2 =	sld [smem:$0x3F99];
	s0 =	simm.s32 @p1 $0x1  }
0x15: {  	[smem:$0x3FB6] =	sst s0;
	s0 =	simm.s32 @!p2 $0x0  }
0x16: {  	s3 =	sld [smem:$0x3FDB];
	s0 =	simm.s32 @p2 $0x1  }
0x17: {  	s4 =	simm.s32 $0x1BF5;
	[smem:$0x3FB8] =	sst s0  }
0x18: {  	s0 =	sld [smem:$0x3F9B];
	_ =	swait.ge [sflag:s4], $0x0  }
0x19: {  	s7 =	sld [smem:$0x3F9C]  }
0x1a: {  	s8 =	sadd.s32 $0xFFFFE003, lr  }
0x1b: {  	s9 =	sadd.s32 $0xFFFFFEF7, lr;
	s5 =	simm.s32 $0xFFFFFFFF;
	p2 =	slt.u32 s8, $0xFFFFF086  }
0x1c: {  	p1 =	slt.u32 s9, $0xF7A;
	s5 =	simm.s32 @!p2 $0x0  }
0x1d: {  	s5 =	simm.s32 @p1 $0x1;
	p0 =	seq.s32 s7, s2  }
0x1e: {  	s7 =	smul.u32 @!p0 $0xF7A, s2;
	p2 =	seq.s32 @!p0 s5, $0x0  }
0x1f: {  	s9 =	smul.u32 $0xF7A, s1;
	s8 =	simm.s32 @!p0 $0x1BF5;
	p2 =	por !p2, p0  }
0x20: {  	[sflag:s8] =	ssyncset.s32 @!p0 $0xFFFFF086;
	s6 =	sadd.s32 @!p0 s3, s7;
	s7 =	simm.s32 @!p0 $0x108  }
0x21: {  	s3 =	sadd.s32 s3, s9;
	s6 =	sadd.s32 @!p0 $0x88, s6;
	s7 =	simm.s32 @p2 $0x1082  }
0x22: {  	[simem:s7], [sflag:s8] =	dma.local @!p0 [hbm:s6], $0xF7A  }
0x23: {  	s9 =	sor.u32 $0xD0000000, s2;
	s6 =	simm.s32 $0x108;
	_ =	swait.ge @!p0 [sflag:s8], $0x0  }
0x24: {  	s3 =	sadd.s32 $0x88, s3;
	s6 =	simm.s32 @!p1 $0x1082;
	[sflag:s4] =	ssyncset.s32 $0xFFFFF086  }
0x25: {  	[simem:s6], [sflag:s4] =	dma.local [hbm:s3], $0xF7A  }
0x26: {  	[smem:$0x3F9C] =	sst s1;
	(tag) =	ssettag s2;
	_ =	strace s9  }
0x27: {  	s1 =	sld [smem:$0x3FAC]  }
0x28: {  	s2 =	sld [smem:$0x3FAD]  }
0x29: {  	s4 =	sld [smem:$0x3FAF]  }
0x2a: {  	p0 =	seq.s32 s5, $0x0;
	s5 =	sld [smem:$0x3FB0]  }
0x2b: {  	s6 =	sld [smem:$0x3FB1]  }
0x2c: {  	s7 =	sld [smem:$0x3FB2]  }
0x2d: {  	s3 =	simm.s32 $0x108;
	s8 =	sld [smem:$0x3FB3]  }
0x2e: {  	s3 =	simm.s32 @!p0 $0x1082;
	s9 =	sld [smem:$0x3FB4]  }
0x2f: {  	lr =	sadd.s32 s0, s3;
	s0 =	sld [smem:$0x3FAB]  }
0x30: {  	s3 =	sld [smem:$0x3FAE]  }
0x31: {  	[smem:$0x3FB7] =	sst s10  }
0x32: {  	s10 =	sld [smem:$0x3FB5];
	_ =	sdelay $0x3  }
0x33: {  	p0 =	seq.s32 s10, $0x1;
	s10 =	sld [smem:$0x3FB7];
	_ =	sdelay $0x3  }
0x34: {  	[smem:$0x3FB7] =	sst s10  }
0x35: {  	s10 =	sld [smem:$0x3FB6];
	_ =	sdelay $0x3  }
0x36: {  	p1 =	seq.s32 s10, $0x1;
	s10 =	sld [smem:$0x3FB7];
	_ =	sdelay $0x3  }
0x37: {  	[smem:$0x3FB7] =	sst s10  }
0x38: {  	s10 =	sld [smem:$0x3FB8]  }
0x39: {  	_ = 	snop;
	(pc) =	sbr.ind lr, $3  }
0x3a: {  	_ = 	snop  }
0x3b: {  	_ = 	snop  }
0x3c: {  	p2 =	seq.s32 s10, $0x1;
	s10 =	sld [smem:$0x3FB7]  }
0x3d: {  	_ =	shalt  }
0x3e: {  	_ =	shalt  }
0x3f: {  	_ =	shalt  }
0x40: {  	_ =	shalt  }
0x41: {  	_ =	shalt  }
0x42: {  	_ =	shalt  }
0x43: {  	_ =	shalt  }
0x44: {  	_ =	shalt  }
0x45: {  	_ =	shalt  }
0x46: {  	_ =	shalt  }
0x47: {  	_ =	shalt  }
0x48: {  	_ =	shalt  }
0x49: {  	_ =	shalt  }
0x4a: {  	_ =	shalt  }
0x4b: {  	_ =	shalt  }
0x4c: {  	_ =	shalt  }
0x4d: {  	_ =	shalt  }
0x4e: {  	_ =	shalt  }
0x4f: {  	_ =	shalt  }
0x50: {  	_ =	shalt  }
0x51: {  	_ =	shalt  }
0x52: {  	_ =	shalt  }
0x53: {  	_ =	shalt  }
0x54: {  	_ =	shalt  }
0x55: {  	_ =	shalt  }
0x56: {  	_ =	shalt  }
0x57: {  	_ =	shalt  }
0x58: {  	_ =	shalt  }
0x59: {  	_ =	shalt  }
0x5a: {  	_ =	shalt  }
0x5b: {  	_ =	shalt  }
0x5c: {  	_ =	shalt  }
0x5d: {  	_ =	shalt  }
0x5e: {  	_ =	shalt  }
0x5f: {  	_ =	shalt  }
0x60: {  	_ =	shalt  }
0x61: {  	_ =	shalt  }
0x62: {  	_ =	shalt  }
0x63: {  	_ =	shalt  }
0x64: {  	_ =	shalt  }
0x65: {  	_ =	shalt  }
0x66: {  	_ =	shalt  }
0x67: {  	_ =	shalt  }
0x68: {  	_ =	shalt  }
0x69: {  	_ =	shalt  }
0x6a: {  	_ =	shalt  }
0x6b: {  	_ =	shalt  }
0x6c: {  	_ =	shalt  }
0x6d: {  	_ =	shalt  }
0x6e: {  	_ =	shalt  }
0x6f: {  	_ =	shalt  }
0x70: {  	_ =	shalt  }
0x71: {  	_ =	shalt  }
0x72: {  	_ =	shalt  }
0x73: {  	_ =	shalt  }
0x74: {  	_ =	shalt  }
0x75: {  	_ =	shalt  }
0x76: {  	_ =	shalt  }
0x77: {  	_ =	shalt  }
0x78: {  	_ =	shalt  }
0x79: {  	_ =	shalt  }
0x7a: {  	_ =	shalt  }
0x7b: {  	_ =	shalt  }
0x7c: {  	_ =	shalt  }
0x7d: {  	_ =	shalt  }
0x7e: {  	_ =	shalt  }
0x7f: {  	_ =	shalt  }
0x80: {  	_ =	shalt  }
0x81: {  	_ =	shalt  }
0x82: {  	_ =	shalt  }
0x83: {  	_ =	shalt  }
0x84: {  	_ =	shalt  }
0x85: {  	_ =	shalt  }
0x86: {  	_ =	shalt  }
0x87: {  	_ =	shalt  }
.Lfunc_end0:
.L_simem_size_0:
called_computation_lowered:
.L_overlay_start_0:
0x88: {  	s2 =	sld [smem:$0x3FD9]  }
0x89: {  	s3 =	sld [smem:$0x3FFE];
	_ =	sdelay $0x1  }
0x8a: {  	s1 =	srdreg.scid  }
0x8b: {  	s0 =	sand.u32 $0x1, s1  }
0x8c: {  	s17 =	sshll.u32 s0, $0xA;
	s2 =	sadd.s32 s3, s2  }
0x8d: {  	s2 =	sadd.s32 s2, s17  }
0x8e: {  	[smem:$0x3FC3] =	sst s2  }
0x8f: {  	_ = 	snop  }
0x90: {  	s2 =	sld [smem:$0x3FD0];
	(tm) =	ssettm $0x1  }
0x91: {  	s18 =	sld [smem:$0x3FFB];
	_ =	sdelay $0x3  }
0x92: {  	_ =	strace s18  }
0x93: {  	s3 =	sld [smem:$0x3FFC];
	_ =	sdelay $0x3  }
0x94: {  	_ =	strace s3  }
0x95: {  	s3 =	sld [smem:$0x3FFD];
	_ =	sdelay $0x3  }
0x96: {  	_ =	strace s3  }
0x97: {  	_ =	strace $0x8FFFFFFF  }
0x98: {  	s19 =	sld [smem:$0x3FDB];
	_ =	sdelay $0x1  }
0x99: {  	s4 =	simm.s32 $_scs_section_size  }
0x9a: {  	s5 =	simm.s32 $_size__tile_overlayer_lowered;
	s6 =	simm.s32 $_tile_overlayer_lowered  }
0x9b: {  	s22 =	simm.s32 $0x1BFF;
	s21 =	sshll.u32 s6, $0x1;
	s3 =	sadd.s32 s4, s19  }
0x9c: {  	s7 =	simm.s32 $0x0;
	s20 =	sshll.u32 s5, $0x1;
	s5 =	sadd.s32 s21, s3  }
0x9d: {  	[timem:s7], [sflag:s22] =	dma.local [hbm:s5], s20  }
0x9e: {  	_ =	swait.ge [sflag:s22], s20  }
0x9f: {  	s4 =	ssub.s32 $0x0, s20;
	[sflag:s22] =	ssyncset.done $0x0  }
0xa0: {  	[sflag:s22] =	ssyncadd.s32 s4;
	_ =	sdelay $0x1  }
0xa1: {  	s23 =	simm.s32 $0x1B8B  }
0xa2: {  	_ =	swait.ge [sflag:s23], $0x1  }
0xa3: {  	[sflag:s23] =	ssyncset.done $0x0  }
0xa4: {  	s25 =	simm.s32 $0x1B8E;
	s24 =	sld [smem:$0x3FFE];
	[sflag:s23] =	ssyncadd.s32 $0xFFFFFFFF  }
0xa5: {  	s26 =	simm.s32 $execute0_lowered;
	[smem:$0x3FD2] =	sst s25  }
0xa6: {  	s5 =	sshll.u32 s26, $0x1;
	_ =	strace $0x80000046;
	[dreg:$0x1] =	wrdreg $0xFFFFFFFF  }
0xa7: {  	s28 =	simm.s32 $_size_execute0_lowered;
	s3 =	sadd.s32 s3, s5;
	[dreg:$0x0] =	wrdreg $0x0  }
0xa8: {  	s5 =	sshll.u32 s28, $0x1;
	[dreg:$0x2] =	wrdreg s3  }
0xa9: {  	[dreg:$0x3] =	wrdreg s5  }
0xaa: {  	[dreg:$0x4] =	wrdreg $0xC0  }
0xab: {  	_ =	task [dreg:s7], $0x5FFFF  }
0xac: {  	[dreg:$0x1] =	wrdreg $0xFFFFFFFF  }
0xad: {  	[dreg:$0x0] =	wrdreg $0x60  }
0xae: {  	[dreg:$0x2] =	wrdreg s24  }
0xaf: {  	[dreg:$0x3] =	wrdreg s2  }
0xb0: {  	[dreg:$0x4] =	wrdreg $0x17E800  }
0xb1: {  	[dreg:$0x5] =	wrdreg $0x9  }
0xb2: {  	_ =	task.clear_ibuf [dreg:s7], $0x6FFFF;
	_ =	strace $0x90000046  }
0xb3: {  	s29 =	simm.s32 $0x9;
	_ =	strace $0x80000048  }
0xb4: {  	_ =	swait.ge [sflag:s29], $0x1  }
0xb5: {  	[sflag:s29] =	ssyncadd.s32 $0xFFFFFFFF  }
0xb6: {  	_ =	strace $0x90000048  }
0xb7: {  	_ =	sfence  }
0xb8: {  	s30 =	sld [smem:$0x0];
	_ =	sdelay $0x2  }
0xb9: {  	s31 =	sshll.u32 s1, $0xD;
	s1 =	sshrl.u32 s1, $0x2  }
0xba: {  	s3 =	sand.u32 $0x4000, s31;
	s1 =	sadd.s32 s1, s30  }
0xbb: {  	s0 =	sor.u32 s3, s0;
	s1 =	sshll.u32 s1, $0x11  }
0xbc: {  	s0 =	sor.u32 s1, s0  }
0xbd: {  	s0 =	sadd.s32 $0x8F2B, s0  }
0xbe: {  	[sflag:s0] =	ssyncadd.remote.s32 $0x1  }
0xbf: {  	_ =	sfence.sel $0xFFFF  }
0xc0: {  	[dreg:$0x0] =	wrdreg $0xFFFFFFFF;
	(pc) =	sbr.abs _section_cstart, $3  }
0xc1: {  	[dreg:$0x1] =	wrdreg $0xFFFFFFFF  }
0xc2: {  	_ =	task.clear_ibuf [dreg:s7], $0x2FFFF;
	_ =	strace $0x9FFFFFFF  }
0xc3: {  	(tm) =	ssettm $0x7FFFFFFF  }
tec
execute0_lowered:
.L_overlay_start_1:
0x0: {  	(tag) =	ssettag $0x1  }
0x1: {  	s0 =	srdreg.scid;
	s22 =	rddreg [dreg:$0x0]  }
0x2: {  	s1 =	stileid.u32;
	s18 =	rddreg [dreg:$0x1];
	s6 =	sand.u32 $0x1, s0  }
0x3: {  	s19 =	rddreg [dreg:$0x2];
	s24 =	sand.u32 $0x7, s1;
	s0 =	sshll.u32 s6, $0x4  }
0x4: {  	p1 =	sne.s32 s24, $0x0;
	s6 =	ssub.s32 $0x2, s6;
	s2 =	sor.u32 s1, s0  }
0x5: {  	s0 =	simm.s32 $0x1;
	s21 =	sshrl.u32 s6, $0x1;
	p0 =	seq.s32 s2, $0x0  }
0x6: {  	s25 =	sshrl.u32 s2, $0x3;
	s20 =	smul.u32 $0x1770, s2;
	p0 =	por !p1, !p0  }
0x7: {  	s6 =	ssub.s32 s6, s21;
	s26 =	sshll.u32 s2, $0x6;
	p0 =	por !p0, !p0  }
0x8: {  	[dreg:$0x11] =	wrdreg s6;
	s6 =	sadd.s32 s26, s19;
	s0 =	simm.s32 @!p0 $0x0  }
0x9: {  	s21 =	smul.u32 $0xBC0, s2;
	[dreg:$0x4] =	wrdreg s6;
	s16 =	ssub.s32 s25, s0  }
0xa: {  	s18 =	sadd.s32 s18, s20;
	s7 =	sshll.u32 s16, $0x3;
	s16 =	sshll.u32 s16, $0xB  }
0xb: {  	s24 =	sadd.s32 s20, s22;
	s9 =	ssub.s32 s2, s7;
	s16 =	sshra.s32 s16, $0x2  }
0xc: {  	s2 =	sshll.u32 s2, $0x5;
	s13 =	sadd.s32 $0xFFFFFFFF, s9;
	s14 =	sadd.s32 $0xFFFFFFFE, s9  }
0xd: {  	s15 =	sadd.s32 $0xFFFFFFFD, s9;
	s17 =	sadd.s32 $0xFFFFFFFC, s9;
	s11 =	sadd.s32 $0xFFFFFFFB, s9  }
0xe: {  	s10 =	sadd.s32 $0xFFFFFFFA, s9;
	s12 =	sadd.s32 $0xFFFFFFF9, s9;
	s1 =	sadd.s32 $0x1, s9  }
0xf: {  	s4 =	sadd.s32 $0x3, s9;
	s5 =	sadd.s32 $0x4, s9;
	s8 =	sadd.s32 $0x5, s9  }
0x10: {  	s19 =	sadd.s32 s16, s19;
	s6 =	sadd.s32 $0x6, s9;
	s23 =	sadd.s32 $0x7, s9  }
0x11: {  	p0 =	sgt.s32 s13, $0xFFFFFFFF;
	p1 =	sgt.s32 s15, $0xFFFFFFFF;
	p6 =	slt.s32 s4, $0x8  }
0x12: {  	p2 =	slt.s32 s8, $0x7;
	[dreg:$0x5] =	wrdreg s19;
	p4 =	slt.s32 s23, $0x8  }
0x13: {  	p3 =	slt.s32 s6, $0x7;
	s0 =	simm.s32 @!p0 $0x0;
	s16 =	simm.s32 @!p4 $0x0  }
0x14: {  	s0 =	simm.s32 @p0 $0x1;
	p0 =	sgt.s32 s13, $0x0;
	s16 =	simm.s32 @p4 $0x1  }
0x15: {  	p4 =	slt.s32 s23, $0x7;
	[smem:$0x7FA] =	sst s0;
	s13 =	simm.s32 @!p0 $0x0  }
0x16: {  	p0 =	sgt.s32 s14, $0xFFFFFFFF;
	[smem:$0x7FD] =	sst s16;
	s16 =	sadd.s32 s21, s22  }
0x17: {  	s23 =	simm.s32 @!p4 $0x7;
	s0 =	simm.s32 @!p0 $0x0;
	s16 =	sadd.s32 $0x5F000, s16  }
0x18: {  	s25 =	sadd.s32 s7, s13;
	s13 =	sshll.u32 s13, $0x6;
	s0 =	simm.s32 @p0 $0x1  }
0x19: {  	p0 =	sgt.s32 s14, $0x0;
	[smem:$0x7F5] =	sst s0;
	s0 =	simm.s32 @!p1 $0x0  }
0x1a: {  	s14 =	simm.s32 @!p0 $0x0;
	p0 =	sgt.s32 s17, $0xFFFFFFFF;
	s0 =	simm.s32 @p1 $0x1  }
0x1b: {  	p1 =	sgt.s32 s15, $0x0;
	s26 =	sadd.s32 s7, s14;
	s20 =	sshll.u32 s14, $0x6  }
0x1c: {  	[smem:$0x7F6] =	sst s0;
	s15 =	simm.s32 @!p1 $0x0;
	s0 =	simm.s32 @!p0 $0x0  }
0x1d: {  	p1 =	sgt.s32 s10, $0xFFFFFFFF;
	s0 =	simm.s32 @p0 $0x1;
	p0 =	sgt.s32 s17, $0x0  }
0x1e: {  	s19 =	sshll.u32 s26, $0x7;
	s17 =	simm.s32 @!p0 $0x0;
	p0 =	sgt.s32 s11, $0xFFFFFFFF  }
0x1f: {  	s21 =	sadd.s32 s7, s15;
	[smem:$0x7F7] =	sst s0;
	s0 =	simm.s32 @!p0 $0x0  }
0x20: {  	s14 =	sand.u32 $0x3FFFFFC0, s20;
	s22 =	sshll.u32 s21, $0x7;
	s0 =	simm.s32 @p0 $0x1  }
0x21: {  	s26 =	sshll.u32 s17, $0x6;
	p0 =	sgt.s32 s11, $0x0;
	[smem:$0x7F8] =	sst s0  }
0x22: {  	s0 =	simm.s32 @!p1 $0x0;
	s11 =	simm.s32 @!p0 $0x0;
	p0 =	sgt.s32 s12, $0xFFFFFFFF  }
0x23: {  	s0 =	simm.s32 @p1 $0x1;
	p1 =	sgt.s32 s10, $0x0;
	s20 =	sshll.u32 s11, $0x6  }
0x24: {  	[smem:$0x7F9] =	sst s0;
	s10 =	simm.s32 @!p1 $0x0;
	s0 =	simm.s32 @!p0 $0x0  }
0x25: {  	s0 =	simm.s32 @p0 $0x1;
	p0 =	sgt.s32 s12, $0x0;
	s21 =	sadd.s32 s7, s10  }
0x26: {  	s10 =	sshll.u32 s10, $0x6;
	s12 =	simm.s32 @!p0 $0x0;
	p0 =	slt.s32 s1, $0x8  }
0x27: {  	[smem:$0x7FB] =	sst s0;
	s0 =	sadd.s32 $0x2, s9;
	s3 =	simm.s32 @!p0 $0x0  }
0x28: {  	p5 =	slt.s32 s0, $0x8;
	p1 =	slt.s32 s0, $0x7;
	s3 =	simm.s32 @p0 $0x1  }
0x29: {  	p0 =	slt.s32 s1, $0x7;
	s0 =	simm.s32 @!p1 $0x7;
	p1 =	slt.s32 s5, $0x7  }
0x2a: {  	[smem:$0x7FC] =	sst s3;
	s1 =	simm.s32 @!p0 $0x7;
	p0 =	slt.s32 s4, $0x7  }
0x2b: {  	s3 =	simm.s32 $0x0;
	s4 =	simm.s32 @!p0 $0x7;
	p0 =	slt.s32 s5, $0x8  }
0x2c: {  	s5 =	simm.s32 @!p1 $0x7;
	p1 =	slt.s32 s8, $0x8;
	[smem:$0x7FF] =	sst s3  }
0x2d: {  	s8 =	simm.s32 @!p2 $0x7;
	_ =	strace $0x80000047;
	[dreg:$0x6] =	wrdreg s18  }
0x2e: {  	p2 =	slt.s32 s6, $0x8;
	s6 =	simm.s32 @!p3 $0x7;
	[dreg:$0x8] =	wrdreg s16  }
0x2f: {  	s18 =	sadd.s32 $0x30200, s24;
	[dreg:$0x9] =	wrdreg s2;
	s2 =	sshll.u32 s25, $0x7  }
0x30: {  	s24 =	sshll.u32 s15, $0x6;
	s15 =	sshra.s32 s22, $0x2;
	s25 =	sadd.s32 s7, s17  }
0x31: {  	s22 =	sshll.u32 s21, $0x7;
	[dreg:$0x7] =	wrdreg s18;
	s2 =	sshra.s32 s2, $0x2  }
0x32: {  	s18 =	sand.u32 $0x3FFFFFC0, s13;
	s16 =	sand.u32 $0x3FFFFFC0, s24;
	s13 =	sadd.s32 s7, s11  }
0x33: {  	s21 =	sshra.s32 s22, $0x2;
	s22 =	sand.u32 $0x3FFFFFC0, s10;
	[dreg:$0xa] =	wrdreg s2  }
0x34: {  	s24 =	sadd.s32 s7, s12;
	s11 =	sadd.s32 s7, s4;
	[dreg:$0xb] =	wrdreg s18  }
0x35: {  	s2 =	sshra.s32 s19, $0x2;
	s18 =	sand.u32 $0x3FFFFFC0, s26;
	s19 =	sshll.u32 s13, $0x7  }
0x36: {  	s26 =	sadd.s32 s7, s1;
	s1 =	sshll.u32 s1, $0x8;
	s13 =	sadd.s32 s7, s0  }
0x37: {  	s0 =	sshll.u32 s0, $0x8;
	[dreg:$0xc] =	wrdreg s2;
	s2 =	sshll.u32 s25, $0x7  }
0x38: {  	s25 =	sshll.u32 s12, $0x6;
	s12 =	sshll.u32 s26, $0x7;
	s26 =	sshra.s32 s1, $0x2  }
0x39: {  	s10 =	sshll.u32 s13, $0x7;
	s29 =	sshra.s32 s0, $0x2;
	s0 =	sshll.u32 s11, $0x7  }
0x3a: {  	s13 =	sadd.s32 s7, s5;
	s5 =	sshll.u32 s5, $0x8;
	s11 =	sadd.s32 s7, s6  }
0x3b: {  	s17 =	sshra.s32 s2, $0x2;
	s2 =	sshll.u32 s24, $0x7;
	s24 =	sand.u32 $0x3FFFFFC0, s25  }
0x3c: {  	s25 =	sshra.s32 s12, $0x2;
	s28 =	sshra.s32 s10, $0x2;
	s12 =	sshll.u32 s4, $0x8  }
0x3d: {  	s30 =	sshra.s32 s0, $0x2;
	s4 =	sshll.u32 s13, $0x7;
	s10 =	sadd.s32 s7, s8  }
0x3e: {  	s0 =	sshra.s32 s5, $0x2;
	s13 =	sshll.u32 s11, $0x7;
	s7 =	sadd.s32 s7, s23  }
0x3f: {  	s2 =	sshra.s32 s2, $0x2;
	s31 =	sshra.s32 s12, $0x2;
	s1 =	sshll.u32 s10, $0x7  }
0x40: {  	s12 =	sshll.u32 s8, $0x8;
	s10 =	sshll.u32 s23, $0x8;
	[dreg:$0xd] =	wrdreg s2  }
0x41: {  	s2 =	sshra.s32 s4, $0x2;
	s4 =	sshra.s32 s12, $0x2;
	s12 =	rddreg [dreg:$0x11]  }
0x42: {  	s11 =	sshll.u32 s7, $0x7;
	s7 =	sshra.s32 s10, $0x2;
	s10 =	sld [smem:$0x7FA]  }
0x43: {  	s5 =	sshra.s32 s13, $0x2;
	s13 =	sshra.s32 s11, $0x2;
	s11 =	sld [smem:$0x7FB]  }
0x44: {  	s20 =	sand.u32 $0x3FFFFFC0, s20;
	s9 =	sshll.u32 s9, $0x8;
	[dreg:$0xf] =	wrdreg s13  }
0x45: {  	s9 =	sshra.s32 s9, $0x2;
	s8 =	smax.u32 s12, $0x1;
	s12 =	sld [smem:$0x7FC]  }
0x46: {  	s19 =	sshra.s32 s19, $0x2;
	s6 =	sshll.u32 s6, $0x8;
	s13 =	sld [smem:$0x7FD]  }
0x47: {  	vm0 =	vmxor vm0, vm0;
	s6 =	sshra.s32 s6, $0x2;
	s23 =	rddreg [dreg:$0x0];
	s1 =	sshra.s32 s1, $0x2  }
0x48: {  	v0 =	vimm.f32 $1.000000000e+00;
	vm1 =	vmmov vm0;
	[dreg:$0xe] =	wrdreg s8;
	p3 =	seq.s32 s10, $0x1;
	p4 =	seq.s32 s11, $0x1  }
0x49: {  	vm2 =	vmmov vm0;
	s8 =	sadd.s32 $0x200, s23;
	vm1 =	vmneg @p3 vm1;
	v1 =	vpsel !p4, $0x0, v0;
	p3 =	seq.s32 s12, $0x1;
	p4 =	seq.s32 s13, $0x1  }
0x4a: {  	v3 =	vimm.f32 $0.0e+00;
	s23 =	simm.s32 $0x1;
	[dreg:$0x10] =	wrdreg s8;
	s8 =	simm.s32 $0x0;
	vm2 =	vmneg @p3 vm2;
	v2 =	vpsel !p4, $0x0, v0  }
.LBB2_1:
0x4b: {  	s10 =	rddreg [dreg:$0x7]  }
0x4c: {  	[tilespmem:s3], [sflag:$0x1] =	stream.linear.gather [hbm4b:s10+s3], $0xBB80, $0x38;
	[tilespmem:$0x17F00] =	vst v63  }
0x4d: {  	_ =	swait.ge [sflag:s23], $0xBB80  }
0x4e: {  	[sflag:s23] =	ssyncset.done $0x0  }
0x4f: {  	s11 =	simm.s32 $0xBB80;
	s13 =	rddreg [dreg:$0x8];
	[sflag:s23] =	ssyncadd.s32 $0xFFFF4480  }
0x50: {  	[tilespmem:s11], [sflag:$0x1] =	stream.linear.gather [hbm4b:s13+s3], $0x5E00, $0x38;
	[tilespmem:$0x17F00] =	vst v63  }
0x51: {  	_ =	swait.ge [sflag:s23], $0x5E00  }
0x52: {  	[sflag:s23] =	ssyncset.done $0x0  }
0x53: {  	[sflag:s23] =	ssyncadd.s32 $0xFFFFA200  }
0x54: {  	s13 =	simm.s32 $0x17780;
	s12 =	rddreg [dreg:$0x0]  }
0x55: {  	[tilespmem:s13], [sflag:$0x1] =	stream.linear.gather [hbm4b:s12+s3], $0x400, $0x38;
	[tilespmem:$0x17F00] =	vst v63  }
0x56: {  	_ =	swait.ge [sflag:s23], $0x400  }
0x57: {  	[sflag:s23] =	ssyncset.done $0x0  }
0x58: {  	s12 =	simm.s32 $0x17B80;
	s11 =	rddreg [dreg:$0x10];
	[sflag:s23] =	ssyncadd.s32 $0xFFFFFC00  }
0x59: {  	[tilespmem:s12], [sflag:$0x1] =	stream.linear.gather [hbm4b:s11+s3], $0x80, $0x38;
	[tilespmem:$0x17F00] =	vst v63  }
0x5a: {  	_ =	swait.ge [sflag:s23], $0x80  }
0x5b: {  	[sflag:s23] =	ssyncset.done $0x0  }
0x5c: {  	[sflag:s23] =	ssyncadd.s32 $0xFFFFFF80  }
0x5d: {  	v4 =	vld [tilespmem:$0x17B80]  }
0x5e: {  	v5 =	vld [tilespmem:$0x17B90]  }
0x5f: {  	v8 =	vld [tilespmem:$0x0]  }
0x60: {  	v9 =	vld [tilespmem:$0x10]  }
0x61: {  	v7 =	vld [tilespmem:$0x17BA0]  }
0x62: {  	v6 =	vld [tilespmem:$0x17BB0];
	_ =	sdelay $0x1  }
0x63: {  	v8 =	vmul.f32 v8, v4  }
0x64: {  	v9 =	vmul.f32 v9, v5  }
0x65: {  	v8 =	vadd.f32 v8, v7  }
0x66: {  	v9 =	vadd.f32 v9, v6  }
0x67: {  	[tilespmem:$0x11980] =	vst v0;
	v10 =	vmax.f32 v8, $0.0e+00  }
0x68: {  	v9 =	vmax.f32 v9, $0.0e+00;
	[tilespmem:$0x0] =	vst v10  }
0x69: {  	s13 =	simm.s32 $0x0;
	[tilespmem:$0x10] =	vst v9  }
0x6a: {  	v8 =	vld [tilespmem:s13+$0xBB90];
	_ =	sdelay $0x4  }
0x6b: {  	v11 =	vmul.f32 v8, v0;
	_ =	sdelay $0x1  }
0x6c: {  	s10 =	simm.s32 $0x30;
	[tilespmem:s13+$0x11990] =	vst v11  }
0x6d: {  	v12 =	vld [tilespmem:s10+$0xFFFFFFF0]  }
0x6e: {  	v13 =	vld [tilespmem:s10+$0x0];
	_ =	sdelay $0x3  }
0x6f: {  	v12 =	vmul.f32 v12, v4  }
0x70: {  	v13 =	vmul.f32 v13, v5  }
0x71: {  	v12 =	vadd.f32 v12, v7  }
0x72: {  	v14 =	vmul.f32 v8, v10;
	v13 =	vadd.f32 v13, v6  }
0x73: {  	v8 =	vmul.f32 v8, v9;
	v12 =	vmax.f32 v12, $0.0e+00  }
0x74: {  	v13 =	vmax.f32 v13, $0.0e+00;
	v14 =	vmax.f32 v12, v14  }
0x75: {  	v15 =	vmax.f32 v13, v8;
	[tilespmem:s10+$0xFFFFFFF0] =	vst v14  }
0x76: {  	[tilespmem:s10+$0x0] =	vst v15  }
0x77: {  	v16 =	vld [tilespmem:s13+$0xBBA0];
	_ =	sdelay $0x4  }
0x78: {  	v8 =	vmul.f32 v16, v11;
	_ =	sdelay $0x1  }
0x79: {  	[tilespmem:s13+$0x119A0] =	vst v8  }
0x7a: {  	v17 =	vld [tilespmem:s10+$0x10]  }
0x7b: {  	v18 =	vld [tilespmem:s10+$0x20];
	_ =	sdelay $0x3  }
0x7c: {  	v17 =	vmul.f32 v17, v4  }
0x7d: {  	v18 =	vmul.f32 v18, v5  }
0x7e: {  	v19 =	vmul.f32 v12, v11;
	v13 =	vmul.f32 v13, v11;
	v17 =	vadd.f32 v17, v7  }
0x7f: {  	v20 =	vmul.f32 v16, v14;
	v12 =	vmul.f32 v15, v16;
	v14 =	vadd.f32 v18, v6  }
0x80: {  	v11 =	vmax.f32 v10, v19;
	v10 =	vmax.f32 v9, v13;
	v13 =	vmax.f32 v17, $0.0e+00  }
0x81: {  	s11 =	simm.s32 $0x80;
	s12 =	simm.s32 $0x30;
	v14 =	vmax.f32 v14, $0.0e+00;
	v9 =	vmax.f32 v13, v20;
	v13 =	vmul.f32 v13, v8  }
.LBB2_2:
0x82: {  	p3 =	sne.s32 s11, $0x17600  }
0x83: {  	v12 =	vmax.f32 v14, v12;
	v14 =	vmul.f32 v14, v8;
	[tilespmem:s10+$0x10] =	vst v9;
	s12 =	sadd.s32 $0x40, s12;
	s13 =	smov.u32 s11;
	s11 =	sadd.s32 $0x80, s11  }
0x84: {  	s13 =	sshra.s32 s13, $0x2;
	v11 =	vmax.f32 v11, v13;
	[tilespmem:s10+$0x20] =	vst v12;
	s10 =	smov.u32 s12  }
0x85: {  	v13 =	vld [tilespmem:s13+$0xBB90];
	v10 =	vmax.f32 v10, v14;
	_ =	sdelay $0x4  }
0x86: {  	v8 =	vmul.f32 v13, v8;
	_ =	sdelay $0x1  }
0x87: {  	[tilespmem:s13+$0x11990] =	vst v8  }
0x88: {  	v14 =	vld [tilespmem:s12+$0xFFFFFFF0]  }
0x89: {  	v15 =	vld [tilespmem:s12+$0x0];
	_ =	sdelay $0x3  }
0x8a: {  	v14 =	vmul.f32 v14, v4  }
0x8b: {  	v15 =	vmul.f32 v15, v5  }
0x8c: {  	v14 =	vadd.f32 v14, v7  }
0x8d: {  	v9 =	vmul.f32 v13, v9;
	v12 =	vmul.f32 v13, v12;
	v15 =	vadd.f32 v15, v6  }
0x8e: {  	v13 =	vmax.f32 v14, $0.0e+00  }
0x8f: {  	v14 =	vmax.f32 v15, $0.0e+00;
	v9 =	vmax.f32 v13, v9;
	v13 =	vmul.f32 v13, v8  }
0x90: {  	v12 =	vmax.f32 v14, v12;
	v14 =	vmul.f32 v14, v8;
	[tilespmem:s12+$0xFFFFFFF0] =	vst v9  }
0x91: {  	[tilespmem:s12+$0x0] =	vst v12  }
0x92: {  	v15 =	vld [tilespmem:s13+$0xBBA0];
	_ =	sdelay $0x4  }
0x93: {  	v8 =	vmul.f32 v15, v8;
	v9 =	vmul.f32 v15, v9  }
0x94: {  	v12 =	vmul.f32 v12, v15  }
0x95: {  	[tilespmem:s13+$0x119A0] =	vst v8  }
0x96: {  	v15 =	vld [tilespmem:s12+$0x10]  }
0x97: {  	v16 =	vld [tilespmem:s12+$0x20];
	_ =	sdelay $0x3  }
0x98: {  	v15 =	vmul.f32 v15, v4  }
.Ltmp0:
0x99: {  	v16 =	vmul.f32 v16, v5;
	(pc) =	sbr.rel @p3 .LBB2_2-.Ltmp0, $4  }
0x9a: {  	v15 =	vadd.f32 v15, v7  }
0x9b: {  	v16 =	vadd.f32 v16, v6  }
0x9c: {  	v11 =	vmax.f32 v11, v13;
	v10 =	vmax.f32 v10, v14;
	v13 =	vmax.f32 v15, $0.0e+00  }
0x9d: {  	v14 =	vmax.f32 v16, $0.0e+00;
	v9 =	vmax.f32 v13, v9;
	v13 =	vmul.f32 v13, v8  }
0x9e: {  	v12 =	vmax.f32 v14, v12;
	[tilespmem:s10+$0x10] =	vst v9  }
0x9f: {  	[tilespmem:s10+$0x20] =	vst v12  }
0xa0: {  	v15 =	vld [tilespmem:$0xBB60]  }
0xa1: {  	v16 =	vld [tilespmem:$0xBB70];
	_ =	sdelay $0x1  }
0xa2: {  	v17 =	vld [tilespmem:$0x11930];
	_ =	sdelay $0x1  }
0xa3: {  	v4 =	vmul.f32 v15, v4  }
0xa4: {  	v5 =	vmul.f32 v16, v5  }
0xa5: {  	v4 =	vadd.f32 v4, v7  }
0xa6: {  	v7 =	vmul.f32 v17, v8;
	v5 =	vadd.f32 v5, v6;
	v6 =	vmul.f32 v17, v9  }
0xa7: {  	v9 =	vmul.f32 v17, v12;
	v4 =	vmax.f32 v4, $0.0e+00  }
0xa8: {  	[tilespmem:$0x17730] =	vst v7;
	v5 =	vmax.f32 v5, $0.0e+00;
	v6 =	vmax.f32 v4, v6  }
0xa9: {  	v9 =	vmax.f32 v5, v9;
	[tilespmem:$0xBB60] =	vst v6  }
0xaa: {  	v8 =	vmul.f32 v14, v8;
	v4 =	vmul.f32 v4, v7;
	[tilespmem:$0xBB70] =	vst v9  }
0xab: {  	v11 =	vmax.f32 v11, v13;
	v5 =	vmul.f32 v5, v7;
	[tilespmem:$0x17C20] =	vst v6  }
0xac: {  	v7 =	vmax.f32 v10, v8;
	[tilespmem:$0x17C30] =	vst v9;
	v4 =	vmax.f32 v11, v4  }
0xad: {  	v5 =	vmax.f32 v7, v5;
	[tilespmem:$0x17C00] =	vst v4  }
0xae: {  	s13 =	rddreg [dreg:$0x4];
	s11 =	simm.s32 $0x17C00;
	[tilespmem:$0x17C10] =	vst v5  }
0xaf: {  	[spmem:s13] =	stream.linear.scatter [tilespmem:s11], [sflag:$0x1], $0x40, $0x38;
	[tilespmem:$0x17F00] =	vst v63  }
0xb0: {  	_ =	swait.ge [sflag:s23], $0x40  }
0xb1: {  	[sflag:s23] =	ssyncset.done $0x0  }
0xb2: {  	[sflag:s23] =	ssyncadd.s32 $0xFFFFFFC0  }
0xb3: {  	[bflag:$0x0] =	sbarrier.arrive $0xFFFF  }
0xb4: {  	s13 =	simm.s32 $0x17C80;
	s12 =	rddreg [dreg:$0x5]  }
0xb5: {  	[tilespmem:s13], [sflag:$0x1] =	stream.linear.gather [spmem:s12], $0x200, $0x38;
	[tilespmem:$0x17F00] =	vst v63  }
0xb6: {  	_ =	swait.ge [sflag:s23], $0x200  }
0xb7: {  	[sflag:s23] =	ssyncset.done $0x0  }
0xb8: {  	[sflag:s23] =	ssyncadd.s32 $0xFFFFFE00  }
0xb9: {  	v6 =	vld [tilespmem:s9+$0x17C80]  }
0xba: {  	v8 =	vld [tilespmem:s9+$0x17C90]  }
0xbb: {  	s11 =	rddreg [dreg:$0x9];
	v7 =	vld [tilespmem:s9+$0x17CA0]  }
0xbc: {  	v9 =	vld [tilespmem:s11+$0x17780]  }
0xbd: {  	s12 =	rddreg [dreg:$0xa];
	v4 =	vld [tilespmem:s11+$0x17790]  }
0xbe: {  	v10 =	vld [tilespmem:s12+$0x17780]  }
0xbf: {  	v11 =	vld [tilespmem:s12+$0x17790]  }
0xc0: {  	v18 =	vld [tilespmem:s15+$0x17780]  }
0xc1: {  	v19 =	vld [tilespmem:s15+$0x17790]  }
0xc2: {  	v22 =	vld [tilespmem:s17+$0x17780]  }
0xc3: {  	v23 =	vld [tilespmem:s17+$0x17790]  }
0xc4: {  	v26 =	vld [tilespmem:s19+$0x17780]  }
0xc5: {  	v27 =	vld [tilespmem:s19+$0x17790]  }
0xc6: {  	v51 =	vld [tilespmem:s25+$0x17780]  }
0xc7: {  	v32 =	vld [tilespmem:s25+$0x17790]  }
0xc8: {  	v52 =	vld [tilespmem:s28+$0x17780]  }
0xc9: {  	v53 =	vld [tilespmem:s28+$0x17790]  }
0xca: {  	v55 =	vld [tilespmem:s30+$0x17780]  }
0xcb: {  	s11 =	rddreg [dreg:$0xc];
	v56 =	vld [tilespmem:s30+$0x17790]  }
0xcc: {  	v44 =	vld [tilespmem:s11+$0x17780]  }
0xcd: {  	v45 =	vld [tilespmem:s11+$0x17790]  }
0xce: {  	s13 =	rddreg [dreg:$0xb];
	v5 =	vld [tilespmem:s9+$0x17CB0]  }
0xcf: {  	vm5 =	vmmov vm0;
	v42 =	vld [tilespmem:s13+$0x17CA0];
	s12 =	sld [smem:$0x7F5];
	vm3 =	veq.s32 v11, v9;
	vm6 =	veq.s32 v10, v11  }
0xd0: {  	v43 =	vld [tilespmem:s13+$0x17CB0];
	vm15 =	veq.s32 v18, v19;
	vm9 =	veq.s32 v22, v23;
	vm10 =	veq.s32 v26, v27  }
0xd1: {  	v46 =	vld [tilespmem:s14+$0x17CA0];
	vm11 =	veq.s32 v51, v32;
	vm12 =	veq.s32 v52, v53;
	vm13 =	veq.s32 v55, v56  }
0xd2: {  	v47 =	vld [tilespmem:s14+$0x17CB0];
	s13 =	sld [smem:$0x7F6];
	p3 =	seq.s32 s12, $0x1;
	vm4 =	veq.s32 v45, v9;
	vm3 =	vmand vm3, vm1;
	vm14 =	veq.s32 v44, v45  }
0xd3: {  	v20 =	vld [tilespmem:s16+$0x17CA0];
	vm5 =	vmmov @p3 vm4;
	v11 =	vsel vm3, $0x3F800000, v3;
	vm4 =	vmmov vm0  }
0xd4: {  	v21 =	vld [tilespmem:s16+$0x17CB0];
	s11 =	sld [smem:$0x7F7];
	vm3 =	vmand vm5, vm6;
	vm6 =	vmmov vm0;
	v12 =	vmul.f32 v11, v42  }
0xd5: {  	v24 =	vld [tilespmem:s18+$0x17CA0];
	p3 =	seq.s32 s13, $0x1;
	vm5 =	vmmov vm0;
	v29 =	vnsel vm3, $0x0, v11;
	vm3 =	veq.s32 v19, v9  }
0xd6: {  	v25 =	vld [tilespmem:s18+$0x17CB0];
	v11 =	vmul.f32 v11, v43;
	vm4 =	vmmov @p3 vm3;
	vm3 =	veq.s32 v23, v9  }
0xd7: {  	v30 =	vld [tilespmem:s21+$0x17790];
	p3 =	seq.s32 s11, $0x1;
	v16 =	vmul.f32 v29, v46;
	v17 =	vmul.f32 v29, v47;
	v6 =	vmax.f32 v6, v12  }
0xd8: {  	v28 =	vld [tilespmem:s20+$0x17CB0];
	s13 =	sld [smem:$0x7F8];
	vm4 =	vmand vm4, vm14;
	vm6 =	vmmov @p3 vm3;
	v8 =	vmax.f32 v8, v11  }
0xd9: {  	v34 =	vld [tilespmem:s1+$0x17780];
	s11 =	sld [smem:$0x7F9];
	v50 =	vnsel vm4, $0x0, v29;
	vm3 =	vmand vm6, vm15;
	vm4 =	vmmov vm0  }
0xda: {  	v46 =	vld [tilespmem:s1+$0x17790];
	vm6 =	vmmov vm0;
	v6 =	vmax.f32 v6, v16;
	v8 =	vmax.f32 v8, v17  }
0xdb: {  	v48 =	vld [tilespmem:s21+$0x17780];
	p3 =	seq.s32 s13, $0x1;
	v31 =	vnsel vm3, $0x0, v50;
	vm3 =	veq.s32 v27, v9;
	v11 =	vmul.f32 v50, v20  }
0xdc: {  	v57 =	vld [tilespmem:s2+$0x17790];
	s12 =	rddreg [dreg:$0xd];
	v39 =	vmul.f32 v50, v21;
	vm4 =	vmmov @p3 vm3;
	vm3 =	veq.s32 v30, v9;
	p3 =	seq.s32 s11, $0x1  }
0xdd: {  	v49 =	vld [tilespmem:s12+$0x17790];
	v42 =	vmul.f32 v31, v25;
	vm4 =	vmand vm4, vm9;
	vm6 =	vmmov @p3 vm3  }
0xde: {  	v10 =	vld [tilespmem:s20+$0x17CA0];
	v6 =	vmax.f32 v6, v11;
	v11 =	vmul.f32 v31, v24;
	v8 =	vmax.f32 v8, v39  }
0xdf: {  	v35 =	vld [tilespmem:s5+$0x17780];
	vm14 =	veq.s32 v34, v46;
	v54 =	vnsel vm4, $0x0, v31;
	vm3 =	vmand vm6, vm10  }
0xe0: {  	v36 =	vld [tilespmem:s22+$0x17CA0];
	vm4 =	veq.s32 v52, v4;
	vm6 =	vmmov vm0;
	v8 =	vmax.f32 v8, v42  }
0xe1: {  	v60 =	vld [tilespmem:s22+$0x17CB0];
	v33 =	vnsel vm3, $0x0, v54;
	vm3 =	veq.s32 v48, v30;
	vm5 =	vmmov @p5 vm4  }
0xe2: {  	v61 =	vld [tilespmem:s24+$0x17CA0];
	vm4 =	veq.s32 v55, v4;
	v30 =	vnsel vm3, $0x0, v33;
	vm3 =	veq.s32 v49, v9  }
0xe3: {  	v10 =	vmul.f32 v54, v10;
	v9 =	vld [tilespmem:s2+$0x17780];
	v15 =	vsel vm3, $0x3F800000, v3;
	vm3 =	veq.s32 v51, v4  }
0xe4: {  	v63 =	vld [tilespmem:s26+$0x17C80];
	v6 =	vmax.f32 v6, v11;
	v11 =	vmul.f32 v54, v28;
	vm3 =	vmand vm3, vm2  }
0xe5: {  	v37 =	vld [tilespmem:s26+$0x17C90];
	v58 =	vsel vm3, $0x3F800000, v3;
	vm3 =	vmand vm5, vm11;
	vm5 =	vmmov vm0  }
0xe6: {  	v38 =	vld [tilespmem:s29+$0x17C80];
	v6 =	vmax.f32 v6, v10;
	v10 =	vmul.f32 v33, v36;
	vm5 =	vmmov @p6 vm4  }
0xe7: {  	v40 =	vld [tilespmem:s29+$0x17C90];
	s12 =	rddreg [dreg:$0xf];
	v8 =	vmax.f32 v8, v11;
	v59 =	vnsel vm3, $0x0, v58;
	vm3 =	vmand vm5, vm12  }
0xe8: {  	v48 =	vld [tilespmem:s12+$0x17780];
	v15 =	vmul.f32 v15, v30;
	vm5 =	veq.s32 v9, v4;
	v62 =	vnsel vm3, $0x0, v59  }
0xe9: {  	v41 =	vld [tilespmem:s31+$0x17C80];
	vm6 =	vmmov @p0 vm5;
	vm3 =	veq.s32 v34, v4;
	vm5 =	vmmov vm0  }
0xea: {  	v11 =	vmul.f32 v33, v60;
	vm5 =	vmmov @p1 vm3;
	vm3 =	veq.s32 v9, v57;
	v9 =	vld [tilespmem:s24+$0x17CB0]  }
0xeb: {  	v44 =	vld [tilespmem:s0+$0x17C80];
	v6 =	vmax.f32 v6, v10;
	v15 =	vmul.f32 v15, v1;
	v10 =	vmul.f32 v58, v63  }
0xec: {  	v45 =	vld [tilespmem:s0+$0x17C90];
	v8 =	vmax.f32 v8, v11;
	v11 =	vmul.f32 v58, v37;
	v12 =	vmul.f32 v59, v38  }
0xed: {  	v43 =	vld [tilespmem:s31+$0x17C90];
	vm15 =	veq.s32 v48, v4;
	v49 =	vmul.f32 v59, v40;
	v14 =	vmul.f32 v15, v61  }
0xee: {  	v47 =	vld [tilespmem:s5+$0x17790];
	v5 =	vmax.f32 v5, v11;
	vm4 =	vmand vm6, vm13;
	vm6 =	veq.s32 v35, v4  }
0xef: {  	v50 =	vld [tilespmem:s4+$0x17C80];
	vm3 =	vmand vm5, vm3;
	vm5 =	vmmov vm0;
	v9 =	vmul.f32 v15, v9  }
0xf0: {  	v52 =	vld [tilespmem:s6+$0x17C90];
	v10 =	vmax.f32 v7, v10;
	v5 =	vmax.f32 v5, v49;
	vm5 =	vmmov @p2 vm6  }
0xf1: {  	v60 =	vld [tilespmem:$0x17730];
	v7 =	vmax.f32 v8, v9;
	v8 =	vmax.f32 v10, v12;
	v10 =	vnsel vm4, $0x0, v62  }
0xf2: {  	v53 =	vmul.f32 v62, v41;
	v9 =	vld [tilespmem:s4+$0x17C90];
	vm4 =	vmand vm5, vm14;
	v51 =	vnsel vm3, $0x0, v10  }
0xf3: {  	v11 =	vld [tilespmem:s6+$0x17C80];
	v55 =	vmul.f32 v62, v43;
	vm3 =	veq.s32 v35, v47;
	v54 =	vnsel vm4, $0x0, v51  }
0xf4: {  	v4 =	vld [tilespmem:s7+$0x17C80];
	v57 =	vsel vm15, $0x3F800000, v3;
	v6 =	vmax.f32 v6, v14;
	v56 =	vnsel vm3, $0x0, v54  }
0xf5: {  	v58 =	vld [tilespmem:s7+$0x17C90];
	v5 =	vmax.f32 v5, v55;
	v59 =	vmul.f32 v10, v44;
	v19 =	vmul.f32 v57, v56  }
0xf6: {  	v8 =	vmax.f32 v8, v53;
	v10 =	vmul.f32 v10, v45;
	v61 =	vmul.f32 v51, v50  }
0xf7: {  	v8 =	vmax.f32 v8, v59;
	v9 =	vmul.f32 v51, v9;
	v62 =	vmul.f32 v19, v2  }
0xf8: {  	v5 =	vmax.f32 v5, v10;
	v10 =	vmul.f32 v54, v11;
	v8 =	vmax.f32 v8, v61  }
0xf9: {  	v5 =	vmax.f32 v5, v9;
	v9 =	vmul.f32 v54, v52;
	v4 =	vmul.f32 v62, v4  }
0xfa: {  	v11 =	vmul.f32 v60, v6;
	v8 =	vmax.f32 v8, v10;
	v10 =	vmul.f32 v62, v58  }
0xfb: {  	v5 =	vmax.f32 v5, v9;
	v4 =	vmax.f32 v8, v4;
	v8 =	vmul.f32 v60, v7  }
0xfc: {  	v5 =	vmax.f32 v5, v10;
	v4 =	vmax.f32 v4, v11  }
0xfd: {  	v5 =	vmax.f32 v5, v8;
	[tilespmem:$0xBB60] =	vst v4  }
0xfe: {  	s13 =	simm.s32 $0x0;
	[tilespmem:$0xBB70] =	vst v5  }
0xff: {  	v8 =	vld [tilespmem:s13+$0x11930]  }
0x100: {  	s10 =	simm.s32 $0xBB20;
	v9 =	vld [tilespmem:s13+$0x17720]  }
0x101: {  	v10 =	vld [tilespmem:s10+$0x20]  }
0x102: {  	v11 =	vld [tilespmem:s10+$0x30];
	_ =	sdelay $0x1  }
0x103: {  	v4 =	vmul.f32 v8, v4  }
0x104: {  	v5 =	vmul.f32 v8, v5;
	v8 =	vmul.f32 v9, v6  }
0x105: {  	v9 =	vmul.f32 v9, v7;
	v4 =	vmax.f32 v10, v4  }
0x106: {  	v5 =	vmax.f32 v11, v5;
	v4 =	vmax.f32 v4, v8  }
0x107: {  	v5 =	vmax.f32 v5, v9;
	[tilespmem:s10+$0x20] =	vst v4  }
0x108: {  	v11 =	vld [tilespmem:s10+$0x10];
	[tilespmem:s10+$0x30] =	vst v5  }
0x109: {  	v9 =	vld [tilespmem:s13+$0x11920]  }
0x10a: {  	v10 =	vld [tilespmem:s13+$0x17710]  }
0x10b: {  	v8 =	vld [tilespmem:s10+$0x0];
	_ =	sdelay $0x2  }
0x10c: {  	v63 =	vmul.f32 v9, v4;
	v9 =	vmul.f32 v9, v5  }
0x10d: {  	v4 =	vmul.f32 v10, v6  }
0x10e: {  	s11 =	simm.s32 $0xFFFFFF80;
	s12 =	simm.s32 $0xBB20;
	v5 =	vmul.f32 v10, v7;
	v8 =	vmax.f32 v8, v63;
	v9 =	vmax.f32 v11, v9  }
.LBB2_4:
0x10f: {  	p3 =	sne.s32 s11, $0xFFFE8A00  }
0x110: {  	v4 =	vmax.f32 v8, v4;
	v5 =	vmax.f32 v9, v5;
	s10 =	sadd.s32 $0xFFFFFFC0, s10;
	s13 =	smov.u32 s11;
	s11 =	sadd.s32 $0xFFFFFF80, s11  }
0x111: {  	[tilespmem:s12+$0x0] =	vst v4  }
0x112: {  	s13 =	sshra.s32 s13, $0x2;
	v8 =	vld [tilespmem:s10+$0x30];
	[tilespmem:s12+$0x10] =	vst v5;
	s12 =	smov.u32 s10  }
0x113: {  	v9 =	vld [tilespmem:s13+$0x11930]  }
0x114: {  	v10 =	vld [tilespmem:s13+$0x17720]  }
0x115: {  	v11 =	vld [tilespmem:s10+$0x20];
	_ =	sdelay $0x2  }
0x116: {  	v4 =	vmul.f32 v9, v4;
	v5 =	vmul.f32 v9, v5  }
0x117: {  	v9 =	vmul.f32 v10, v6;
	v10 =	vmul.f32 v10, v7  }
0x118: {  	v4 =	vmax.f32 v11, v4;
	v5 =	vmax.f32 v8, v5  }
0x119: {  	v4 =	vmax.f32 v4, v9;
	v5 =	vmax.f32 v5, v10  }
0x11a: {  	[tilespmem:s10+$0x20] =	vst v4  }
0x11b: {  	[tilespmem:s10+$0x30] =	vst v5;
	v8 =	vld [tilespmem:s10+$0x0]  }
0x11c: {  	v9 =	vld [tilespmem:s13+$0x11920]  }
0x11d: {  	v10 =	vld [tilespmem:s13+$0x17710]  }
0x11e: {  	v11 =	vld [tilespmem:s10+$0x10]  }
.Ltmp1:
0x11f: {  	(pc) =	sbr.rel @p3 .LBB2_4-.Ltmp1, $4  }
0x120: {  	_ = 	snop  }
0x121: {  	v12 =	vmul.f32 v9, v4;
	v9 =	vmul.f32 v9, v5  }
0x122: {  	v4 =	vmul.f32 v10, v6;
	v5 =	vmul.f32 v10, v7  }
0x123: {  	v8 =	vmax.f32 v8, v12;
	v9 =	vmax.f32 v11, v9  }
0x124: {  	v4 =	vmax.f32 v8, v4  }
0x125: {  	v5 =	vmax.f32 v9, v5;
	[tilespmem:s12+$0x0] =	vst v4  }
0x126: {  	[tilespmem:s12+$0x10] =	vst v5  }
0x127: {  	v62 =	vld [tilespmem:$0xBB90]  }
0x128: {  	v63 =	vld [tilespmem:$0x11980]  }
0x129: {  	v10 =	vld [tilespmem:$0x0]  }
0x12a: {  	v11 =	vld [tilespmem:$0x10];
	_ =	sdelay $0x1  }
0x12b: {  	v4 =	vmul.f32 v62, v4  }
0x12c: {  	v5 =	vmul.f32 v62, v5;
	v6 =	vmul.f32 v63, v6  }
0x12d: {  	v7 =	vmul.f32 v63, v7;
	v4 =	vmax.f32 v10, v4  }
0x12e: {  	v5 =	vmax.f32 v11, v5;
	v4 =	vmax.f32 v4, v6  }
0x12f: {  	v5 =	vmax.f32 v5, v7;
	[tilespmem:$0x0] =	vst v4  }
0x130: {  	s10 =	rddreg [dreg:$0x6];
	[tilespmem:$0x10] =	vst v5  }
0x131: {  	[hbm4b:s10+s3] =	stream.linear.scatter [tilespmem:s3], [sflag:$0x1], $0xBB80, $0x38;
	[tilespmem:$0x17F00] =	vst v63  }
0x132: {  	_ =	swait.ge [sflag:s23], $0xBB80  }
0x133: {  	s8 =	sadd.s32 $0x1, s8;
	s13 =	rddreg [dreg:$0xe]  }
0x134: {  	p3 =	sne.s32 s8, s13  }
.Ltmp2:
0x135: {  	_ = 	snop;
	(pc) =	sbr.rel @p3 .LBB2_1-.Ltmp2, $3  }
0x136: {  	_ =	sdelay $0x1  }
0x137: {  	[sflag:s23] =	ssyncset.done $0x0  }
0x138: {  	[sflag:s23] =	ssyncadd.s32 $0xFFFF4480  }
0x139: {  	_ =	sfence.sel $0x180000  }
0x13a: {  	[bflag:$0x0] =	sbarrier.arrive $0xFFFF  }
0x13b: {  	_ =	strace $0x90000047  }
0x13c: {  	s0 =	stileid.u32;
	[bflag:$0x2] =	sbarrier.arrive $0xFFFF  }
0x13d: {  	p0 =	sne.s32 s0, $0x0;
	s0 =	rddreg [dreg:$0x3]  }
0x13e: {  	s0 =	sadd.s32 @!p0 $0x100000, s0  }
0x13f: {  	[sflag:s0] =	ssyncadd.tile.s32 @!p0 $0x1;
	_ =	shalt  }
.Lfunc_end2:
_tile_overlayer_lowered:
.L_overlay_start_2:
0x140: {  	(tag) =	ssettag $0x2  }
0x141: {  	s0 =	rddreg [dreg:$0x0];
	s2 =	stileid.u32  }
0x142: {  	s1 =	rddreg [dreg:$0x1];
	p0 =	sne.s32 s2, $0x0  }
0x143: {  	s3 =	rddreg [dreg:$0x2];
	[bflag:$0x3] =	sbarrier.arrive $0xFFFF;
	s2 =	simm.s32 @!p0 $0x1C01  }
0x144: {  	[timem:s3], [sflag:s2] =	dma.local @!p0 [hbm:s0], s1  }
0x145: {  	s0 =	simm.s32 @!p0 $0x1  }
0x146: {  	_ =	swait.ge @!p0 [sflag:s0], s1  }
0x147: {  	s1 =	ssub.s32 @!p0 $0x0, s1;
	[sflag:s0] =	ssyncset.done @!p0 $0x0  }
0x148: {  	[sflag:s0] =	ssyncadd.s32 @!p0 s1  }
0x149: {  	[bflag:$0x3] =	sbarrier.arrive $0xFFFF  }
0x14a: {  	_ =	shalt  }

</sc_bundles>
